<compile_context>
chip_gen: v7x
topology: tpu7x:2x2x1
jax: 0.10.2.dev20260603
libtpu: 0.0.44.dev20260713+nightly
codegen_flags: <defaults>
</compile_context>

<pallas_src>
import functools

import jax
import jax.numpy as jnp
from jax import lax
from jax.experimental import pallas as pl
from jax.experimental.pallas import tpu as pltpu

M = 100000
B = 16384
D = 256
POS_DIM = 64

MB = 1024
BC = 1024
NBLK = 98
M_PAD = NBLK * MB

SC_NC = 2
SC_NS = 16
SC_NW = SC_NC * SC_NS
SC_CHUNK = 128
SC_CHUNKS_PER_W = 25
SC_ROWS_PER_W = SC_CHUNK * SC_CHUNKS_PER_W
M_SC = SC_NW * SC_ROWS_PER_W
TW = 384
TROWS = B + 16


def _agg_body(ids_ref, m1_ref, m2_ref, mean_ref, gidx_ref, has_ref):
    i = pl.program_id(0)
    node_col = i * MB + lax.broadcasted_iota(jnp.int32, (MB, 1), 0)

    def step(j, carry):
        counts, last, sums = carry
        idv = ids_ref[pl.ds(j, 1), :]
        mask = idv == node_col
        maskf = mask.astype(jnp.float32)
        counts = counts + jnp.sum(maskf, axis=1, keepdims=True)
        border = j * BC + lax.broadcasted_iota(jnp.int32, (1, BC), 1)
        last = jnp.maximum(
            last, jnp.max(jnp.where(mask, border, -1), axis=1, keepdims=True))
        pe = m1_ref[pl.ds(j * BC, BC), :] + m2_ref[pl.ds(j * BC, BC), :]
        sums = sums + jnp.dot(maskf.astype(jnp.bfloat16),
                              pe.astype(jnp.bfloat16),
                              preferred_element_type=jnp.float32)
        return counts, last, sums

    counts0 = jnp.zeros((MB, 1), jnp.float32)
    last0 = jnp.full((MB, 1), -1, jnp.int32)
    sums0 = jnp.zeros((MB, POS_DIM), jnp.float32)
    counts, last, sums = lax.fori_loop(0, B // BC, step,
                                       (counts0, last0, sums0))
    has = counts > 0.0
    mean_ref[...] = jnp.where(has, sums / jnp.maximum(counts, 1.0), 0.0)
    gidx_ref[...] = jnp.where(has, last, B)
    has_ref[...] = has.astype(jnp.float32)


def _segment_phase(ids2d, m1, m2):
    return pl.pallas_call(
        _agg_body,
        grid=(NBLK,),
        in_specs=[
            pl.BlockSpec((B // BC, BC), lambda i: (0, 0)),
            pl.BlockSpec((B, POS_DIM), lambda i: (0, 0)),
            pl.BlockSpec((B, POS_DIM), lambda i: (0, 0)),
        ],
        out_specs=[
            pl.BlockSpec((MB, POS_DIM), lambda i: (i, 0)),
            pl.BlockSpec((MB, 1), lambda i: (i, 0)),
            pl.BlockSpec((MB, 1), lambda i: (i, 0)),
        ],
        out_shape=[
            jax.ShapeDtypeStruct((M_PAD, POS_DIM), jnp.float32),
            jax.ShapeDtypeStruct((M_PAD, 1), jnp.int32),
            jax.ShapeDtypeStruct((M_PAD, 1), jnp.float32),
        ],
    )(ids2d, m1, m2)


def _make_sc_gather():
    from jax.experimental.pallas import tpu_sc as plsc

    mesh = plsc.VectorSubcoreMesh(core_axis_name="c", subcore_axis_name="s")

    @functools.partial(
        pl.kernel,
        mesh=mesh,
        out_type=jax.ShapeDtypeStruct((M_SC, TW), jnp.float32),
        scratch_types=[
            pltpu.VMEM((SC_ROWS_PER_W,), jnp.int32),
            pltpu.VMEM((SC_CHUNK, TW), jnp.float32),
            pltpu.VMEM((SC_CHUNK, TW), jnp.float32),
            pltpu.SemaphoreType.DMA,
            pltpu.SemaphoreType.DMA,
        ],
    )
    def sc_gather(table_hbm, gidx_hbm, out_hbm,
                  idx_all, rows_a, rows_b, sem_a, sem_b):
        wid = lax.axis_index("s") * SC_NC + lax.axis_index("c")
        base = wid * SC_ROWS_PER_W

        pltpu.sync_copy(gidx_hbm.at[pl.ds(base, SC_ROWS_PER_W)], idx_all)

        def gather_pair(p, carry):
            j0 = 2 * p
            j1 = 2 * p + 1
            cp_a = pltpu.async_copy(
                table_hbm.at[idx_all.at[pl.ds(j0 * SC_CHUNK, SC_CHUNK)]],
                rows_a, sem_a)
            cp_b = pltpu.async_copy(
                table_hbm.at[idx_all.at[pl.ds(j1 * SC_CHUNK, SC_CHUNK)]],
                rows_b, sem_b)
            cp_a.wait()
            pltpu.sync_copy(rows_a,
                            out_hbm.at[pl.ds(base + j0 * SC_CHUNK, SC_CHUNK)])
            cp_b.wait()
            pltpu.sync_copy(rows_b,
                            out_hbm.at[pl.ds(base + j1 * SC_CHUNK, SC_CHUNK)])
            return carry

        lax.fori_loop(0, SC_CHUNKS_PER_W // 2, gather_pair, 0)

        j_t = SC_CHUNKS_PER_W - 1
        cp_t = pltpu.async_copy(
            table_hbm.at[idx_all.at[pl.ds(j_t * SC_CHUNK, SC_CHUNK)]],
            rows_a, sem_a)
        cp_t.wait()
        pltpu.sync_copy(rows_a,
                        out_hbm.at[pl.ds(base + j_t * SC_CHUNK, SC_CHUNK)])

    return sc_gather


def kernel(messages, timestamps, node_ids):
    ids2d = node_ids.reshape(B // BC, BC)
    m1 = messages[:, D - (2 * POS_DIM + 1):D - (POS_DIM + 1)]
    m2 = messages[:, D - (POS_DIM + 1):D - 1]
    mean_pos, gidx, hasf = _segment_phase(ids2d, m1, m2)

    table = jnp.concatenate(
        [messages, timestamps[:, None],
         jnp.zeros((B, TW - D - 1), jnp.float32)], axis=1)
    table = jnp.concatenate(
        [table, jnp.zeros((TROWS - B, TW), jnp.float32)])
    gidx_flat = jnp.concatenate(
        [gidx[:, 0], jnp.full((M_SC - M_PAD,), B, jnp.int32)])
    gathered = _make_sc_gather()(table, gidx_flat)

    unique_messages = jnp.concatenate([gathered[:M, :D], mean_pos[:M]], axis=1)
    unique_timestamps = gathered[:M, D]
    has = hasf[:M, 0] > 0.0
    return unique_messages, unique_timestamps, has

# --- scband reference (transcript-rebuilt; emitter-appended) ---
"""Pipeline reference for scband-last-mean-position-message-aggregator-58351425683901 (READ-ONLY COPY).

The authoritative reference and input builder live on the scoring server;
editing this copy changes nothing except your own understanding.
"""

import jax, jax.numpy as jnp
import numpy as np

M = 100000          # number of memory nodes
B = 16384           # batch of events
D = 256             # message dim
POS_DIM = 64        # position_dim from init


def setup_inputs(seed: int = 0) -> dict:
    key = jax.random.key(seed)
    k1, k2, k3 = jax.random.split(key, 3)
    messages = jax.random.normal(k1, (B, D), dtype=jnp.float32)
    timestamps = jax.random.uniform(k2, (B,), dtype=jnp.float32)
    node_ids = jax.random.randint(k3, (B,), 0, M, dtype=jnp.int32)
    return {"messages": messages, "timestamps": timestamps, "node_ids": node_ids}


def reference(messages, timestamps, node_ids):
    # Tensorized, fixed-shape version of LastMeanPositionMessageAggregator.aggregate.
    # The original groups a list of (message, timestamp) per node id; here events are
    # given flat in batch order, so "last message" = highest batch index per node id.
    pmd = 2 * POS_DIM + 1  # position_message_dim
    d = messages.shape[1]
    # per-event position encoding: m[-pmd:-(pos+1)] + m[-(pos+1):-1]
    pos_enc = messages[:, d - pmd:d - (POS_DIM + 1)] + messages[:, d - (POS_DIM + 1):d - 1]
    order = jnp.arange(messages.shape[0], dtype=jnp.int32)
    # last occurrence index per node (scatter-max); -1 means node never updated
    last_idx = jnp.full((M,), -1, dtype=jnp.int32).at[node_ids].max(order)
    has = last_idx >= 0
    safe = jnp.where(has, last_idx, 0)
    last_msg = jnp.take(messages, safe, axis=0)        # [M, D] gather
    last_ts = jnp.take(timestamps, safe)               # [M]
    # mean of position encodings over all messages of each node (segment reduce)
    sums = jax.ops.segment_sum(pos_enc, node_ids, num_segments=M)
    counts = jax.ops.segment_sum(jnp.ones((messages.shape[0],), dtype=messages.dtype), node_ids, num_segments=M)
    mean_pos = sums / jnp.maximum(counts, 1.0)[:, None]
    unique_messages = jnp.concatenate([last_msg, mean_pos], axis=1) * has[:, None].astype(messages.dtype)
    unique_timestamps = last_ts * has.astype(timestamps.dtype)
    # (to_update mask, aggregated messages [M, D+POS_DIM], timestamps [M])
    return unique_messages, unique_timestamps, has

if __name__ == "__main__":
    import jax
    _d = setup_inputs()
    print(jax.jit(kernel)(*tuple(_d.values())))

</pallas_src>

<mosaic_0001>
#map = affine_map<(d0, d1) -> (0, 0)>
#map1 = affine_map<(d0, d1) -> (0)>
module attributes {stable_mosaic.version = 14 : i64} {
  func.func @sc_gather(%arg0: i32, %arg1: i32, %arg2: memref<16400x384xf32, #tpu.memory_space<hbm>>, %arg3: memref<102400xi32, #tpu.memory_space<hbm>>, %arg4: memref<102400x384xf32, #tpu.memory_space<hbm>>, %arg5: memref<3200xi32, #tpu.memory_space<vmem>>, %arg6: memref<128x384xf32, #tpu.memory_space<vmem>>, %arg7: memref<128x384xf32, #tpu.memory_space<vmem>>, %arg8: memref<!tpu.dma_semaphore, #tpu.memory_space<semaphore_mem>>, %arg9: memref<!tpu.dma_semaphore, #tpu.memory_space<semaphore_mem>>) attributes {dimension_semantics = [#tpu.dimension_semantics<core_parallel>, #tpu.dimension_semantics<subcore_parallel>], iteration_bounds = array<i64: 2, 16>, scalar_prefetch = 0 : i64, scratch_operands = 5 : i64, tpu.core_type = #tpu.core_type<sc_vector_subcore>, window_params = [{transform_indices = #map}, {transform_indices = #map1}, {transform_indices = #map}]} {
    %mul3A = arith.constant 2 : i32
    %mul3A_0 = arith.muli %arg1, %mul3A : i32
    %add3A = arith.addi %mul3A_0, %arg0 : i32
    %mul3A_1 = arith.constant 3200 : i32
    %mul3A_2 = arith.muli %add3A, %mul3A_1 : i32
    "tpu.region"() ({
      %run_scoped3A = tpu.sem_alloc : memref<!tpu.dma_semaphore, #tpu.memory_space<semaphore_mem>>
      %dma_start3A_18 = tpu.memref_slice %arg3[%mul3A_2] : memref<102400xi32, #tpu.memory_space<hbm>> -> memref<3200xi32, #tpu.memory_space<hbm>>
      %dma_start3A_19 = tpu.memref_slice %arg3[%mul3A_2] : memref<102400xi32, #tpu.memory_space<hbm>> -> memref<3200xi32, #tpu.memory_space<hbm>>
      tpu.enqueue_dma source(%dma_start3A_19 : memref<3200xi32, #tpu.memory_space<hbm>>) target(%arg5 : memref<3200xi32, #tpu.memory_space<vmem>>) target_semaphore(%run_scoped3A : memref<!tpu.dma_semaphore, #tpu.memory_space<semaphore_mem>>)
      %dma_wait3A_20 = tpu.memref_slice %arg3[%mul3A_2] : memref<102400xi32, #tpu.memory_space<hbm>> -> memref<3200xi32, #tpu.memory_space<hbm>>
      %dma_wait3A_21 = tpu.memref_slice %arg3[%mul3A_2] : memref<102400xi32, #tpu.memory_space<hbm>> -> memref<3200xi32, #tpu.memory_space<hbm>>
      tpu.wait_dma2 semaphore(%run_scoped3A : memref<!tpu.dma_semaphore, #tpu.memory_space<semaphore_mem>>) src(%dma_wait3A_21 : memref<3200xi32, #tpu.memory_space<hbm>>) dst(%arg5 : memref<3200xi32, #tpu.memory_space<vmem>>)
      tpu.yield
    }) : () -> ()
    %scan3A = arith.constant 0 : i32
    %scan3A_3 = arith.constant 0 : i32
    %scan3A_4 = arith.constant 12 : i32
    %scan3A_5 = arith.addi %scan3A_3, %scan3A_4 : i32
    %scan3A_6 = arith.constant 1 : i32
    scf.for %scan3A_18 = %scan3A_3 to %scan3A_5 step %scan3A_6  : i32 {
      %mul3A_19 = arith.constant 2 : i32
      %mul3A_20 = arith.muli %mul3A_19, %scan3A_18 : i32
      %mul3A_21 = arith.constant 2 : i32
      %mul3A_22 = arith.muli %mul3A_21, %scan3A_18 : i32
      %add3A_23 = arith.constant 1 : i32
      %add3A_24 = arith.addi %mul3A_22, %add3A_23 : i32
      %mul3A_25 = arith.constant 128 : i32
      %mul3A_26 = arith.muli %mul3A_20, %mul3A_25 : i32
      %dma_start3A_27 = tpu.memref_slice %arg5[%mul3A_26] : memref<3200xi32, #tpu.memory_space<vmem>> -> memref<128xi32, #tpu.memory_space<vmem>>
      %dma_start3A_28 = arith.constant 0 : i32
      %dma_start3A_29 = arith.constant 0 : i32
      %dma_start3A_30 = tpu.memref_slice %arg2[%dma_start3A_28, %dma_start3A_29] : memref<16400x384xf32, #tpu.memory_space<hbm>> -> memref<16400x384xf32, #tpu.memory_space<hbm>>
      tpu.enqueue_indirect_dma source(%dma_start3A_30 : memref<16400x384xf32, #tpu.memory_space<hbm>>) target(%arg6 : memref<128x384xf32, #tpu.memory_space<vmem>>) offsets(%dma_start3A_27 : memref<128xi32, #tpu.memory_space<vmem>>) semaphore(%arg8 : memref<!tpu.dma_semaphore, #tpu.memory_space<semaphore_mem>>)
      %mul3A_31 = arith.constant 128 : i32
      %mul3A_32 = arith.muli %add3A_24, %mul3A_31 : i32
      %dma_start3A_33 = tpu.memref_slice %arg5[%mul3A_32] : memref<3200xi32, #tpu.memory_space<vmem>> -> memref<128xi32, #tpu.memory_space<vmem>>
      %dma_start3A_34 = arith.constant 0 : i32
      %dma_start3A_35 = arith.constant 0 : i32
      %dma_start3A_36 = tpu.memref_slice %arg2[%dma_start3A_34, %dma_start3A_35] : memref<16400x384xf32, #tpu.memory_space<hbm>> -> memref<16400x384xf32, #tpu.memory_space<hbm>>
      tpu.enqueue_indirect_dma source(%dma_start3A_36 : memref<16400x384xf32, #tpu.memory_space<hbm>>) target(%arg7 : memref<128x384xf32, #tpu.memory_space<vmem>>) offsets(%dma_start3A_33 : memref<128xi32, #tpu.memory_space<vmem>>) semaphore(%arg9 : memref<!tpu.dma_semaphore, #tpu.memory_space<semaphore_mem>>)
      %dma_wait3A_37 = tpu.memref_slice %arg5[%mul3A_26] : memref<3200xi32, #tpu.memory_space<vmem>> -> memref<128xi32, #tpu.memory_space<vmem>>
      %dma_wait3A_38 = arith.constant 0 : i32
      %dma_wait3A_39 = arith.constant 0 : i32
      %dma_wait3A_40 = tpu.memref_slice %arg2[%dma_wait3A_38, %dma_wait3A_39] : memref<16400x384xf32, #tpu.memory_space<hbm>> -> memref<16400x384xf32, #tpu.memory_space<hbm>>
      tpu.wait_indirect_dma semaphore(%arg8 : memref<!tpu.dma_semaphore, #tpu.memory_space<semaphore_mem>>) src(%dma_wait3A_40 : memref<16400x384xf32, #tpu.memory_space<hbm>>) dst(%arg6 : memref<128x384xf32, #tpu.memory_space<vmem>>)
      %mul3A_41 = arith.constant 128 : i32
      %mul3A_42 = arith.muli %mul3A_20, %mul3A_41 : i32
      %add3A_43 = arith.addi %mul3A_2, %mul3A_42 : i32
      "tpu.region"() ({
        %run_scoped3A = tpu.sem_alloc : memref<!tpu.dma_semaphore, #tpu.memory_space<semaphore_mem>>
        %dma_start3A_51 = arith.constant 0 : i32
        %dma_start3A_52 = tpu.memref_slice %arg4[%add3A_43, %dma_start3A_51] : memref<102400x384xf32, #tpu.memory_space<hbm>> -> memref<128x384xf32, #tpu.memory_space<hbm>>
        %dma_start3A_53 = arith.constant 0 : i32
        %dma_start3A_54 = tpu.memref_slice %arg4[%add3A_43, %dma_start3A_53] : memref<102400x384xf32, #tpu.memory_space<hbm>> -> memref<128x384xf32, #tpu.memory_space<hbm>>
        tpu.enqueue_dma source(%arg6 : memref<128x384xf32, #tpu.memory_space<vmem>>) target(%dma_start3A_54 : memref<128x384xf32, #tpu.memory_space<hbm>>) target_semaphore(%run_scoped3A : memref<!tpu.dma_semaphore, #tpu.memory_space<semaphore_mem>>)
        %dma_wait3A_55 = arith.constant 0 : i32
        %dma_wait3A_56 = tpu.memref_slice %arg4[%add3A_43, %dma_wait3A_55] : memref<102400x384xf32, #tpu.memory_space<hbm>> -> memref<128x384xf32, #tpu.memory_space<hbm>>
        %dma_wait3A_57 = arith.constant 0 : i32
        %dma_wait3A_58 = tpu.memref_slice %arg4[%add3A_43, %dma_wait3A_57] : memref<102400x384xf32, #tpu.memory_space<hbm>> -> memref<128x384xf32, #tpu.memory_space<hbm>>
        tpu.wait_dma2 semaphore(%run_scoped3A : memref<!tpu.dma_semaphore, #tpu.memory_space<semaphore_mem>>) src(%arg6 : memref<128x384xf32, #tpu.memory_space<vmem>>) dst(%dma_wait3A_58 : memref<128x384xf32, #tpu.memory_space<hbm>>)
        tpu.yield
      }) : () -> ()
      %dma_wait3A_44 = tpu.memref_slice %arg5[%mul3A_32] : memref<3200xi32, #tpu.memory_space<vmem>> -> memref<128xi32, #tpu.memory_space<vmem>>
      %dma_wait3A_45 = arith.constant 0 : i32
      %dma_wait3A_46 = arith.constant 0 : i32
      %dma_wait3A_47 = tpu.memref_slice %arg2[%dma_wait3A_45, %dma_wait3A_46] : memref<16400x384xf32, #tpu.memory_space<hbm>> -> memref<16400x384xf32, #tpu.memory_space<hbm>>
      tpu.wait_indirect_dma semaphore(%arg9 : memref<!tpu.dma_semaphore, #tpu.memory_space<semaphore_mem>>) src(%dma_wait3A_47 : memref<16400x384xf32, #tpu.memory_space<hbm>>) dst(%arg7 : memref<128x384xf32, #tpu.memory_space<vmem>>)
      %mul3A_48 = arith.constant 128 : i32
      %mul3A_49 = arith.muli %add3A_24, %mul3A_48 : i32
      %add3A_50 = arith.addi %mul3A_2, %mul3A_49 : i32
      "tpu.region"() ({
        %run_scoped3A = tpu.sem_alloc : memref<!tpu.dma_semaphore, #tpu.memory_space<semaphore_mem>>
        %dma_start3A_51 = arith.constant 0 : i32
        %dma_start3A_52 = tpu.memref_slice %arg4[%add3A_50, %dma_start3A_51] : memref<102400x384xf32, #tpu.memory_space<hbm>> -> memref<128x384xf32, #tpu.memory_space<hbm>>
        %dma_start3A_53 = arith.constant 0 : i32
        %dma_start3A_54 = tpu.memref_slice %arg4[%add3A_50, %dma_start3A_53] : memref<102400x384xf32, #tpu.memory_space<hbm>> -> memref<128x384xf32, #tpu.memory_space<hbm>>
        tpu.enqueue_dma source(%arg7 : memref<128x384xf32, #tpu.memory_space<vmem>>) target(%dma_start3A_54 : memref<128x384xf32, #tpu.memory_space<hbm>>) target_semaphore(%run_scoped3A : memref<!tpu.dma_semaphore, #tpu.memory_space<semaphore_mem>>)
        %dma_wait3A_55 = arith.constant 0 : i32
        %dma_wait3A_56 = tpu.memref_slice %arg4[%add3A_50, %dma_wait3A_55] : memref<102400x384xf32, #tpu.memory_space<hbm>> -> memref<128x384xf32, #tpu.memory_space<hbm>>
        %dma_wait3A_57 = arith.constant 0 : i32
        %dma_wait3A_58 = tpu.memref_slice %arg4[%add3A_50, %dma_wait3A_57] : memref<102400x384xf32, #tpu.memory_space<hbm>> -> memref<128x384xf32, #tpu.memory_space<hbm>>
        tpu.wait_dma2 semaphore(%run_scoped3A : memref<!tpu.dma_semaphore, #tpu.memory_space<semaphore_mem>>) src(%arg7 : memref<128x384xf32, #tpu.memory_space<vmem>>) dst(%dma_wait3A_58 : memref<128x384xf32, #tpu.memory_space<hbm>>)
        tpu.yield
      }) : () -> ()
    }
    %scan3A_7 = arith.constant 12 : i32
    %dma_start3A = arith.constant 3072 : i32
    %dma_start3A_8 = tpu.memref_slice %arg5[%dma_start3A] : memref<3200xi32, #tpu.memory_space<vmem>> -> memref<128xi32, #tpu.memory_space<vmem>>
    %dma_start3A_9 = arith.constant 0 : i32
    %dma_start3A_10 = arith.constant 0 : i32
    %dma_start3A_11 = tpu.memref_slice %arg2[%dma_start3A_9, %dma_start3A_10] : memref<16400x384xf32, #tpu.memory_space<hbm>> -> memref<16400x384xf32, #tpu.memory_space<hbm>>
    tpu.enqueue_indirect_dma source(%dma_start3A_11 : memref<16400x384xf32, #tpu.memory_space<hbm>>) target(%arg6 : memref<128x384xf32, #tpu.memory_space<vmem>>) offsets(%dma_start3A_8 : memref<128xi32, #tpu.memory_space<vmem>>) semaphore(%arg8 : memref<!tpu.dma_semaphore, #tpu.memory_space<semaphore_mem>>)
    %dma_wait3A = arith.constant 3072 : i32
    %dma_wait3A_12 = tpu.memref_slice %arg5[%dma_wait3A] : memref<3200xi32, #tpu.memory_space<vmem>> -> memref<128xi32, #tpu.memory_space<vmem>>
    %dma_wait3A_13 = arith.constant 0 : i32
    %dma_wait3A_14 = arith.constant 0 : i32
    %dma_wait3A_15 = tpu.memref_slice %arg2[%dma_wait3A_13, %dma_wait3A_14] : memref<16400x384xf32, #tpu.memory_space<hbm>> -> memref<16400x384xf32, #tpu.memory_space<hbm>>
    tpu.wait_indirect_dma semaphore(%arg8 : memref<!tpu.dma_semaphore, #tpu.memory_space<semaphore_mem>>) src(%dma_wait3A_15 : memref<16400x384xf32, #tpu.memory_space<hbm>>) dst(%arg6 : memref<128x384xf32, #tpu.memory_space<vmem>>)
    %add3A_16 = arith.constant 3072 : i32
    %add3A_17 = arith.addi %mul3A_2, %add3A_16 : i32
    "tpu.region"() ({
      %run_scoped3A = tpu.sem_alloc : memref<!tpu.dma_semaphore, #tpu.memory_space<semaphore_mem>>
      %dma_start3A_18 = arith.constant 0 : i32
      %dma_start3A_19 = tpu.memref_slice %arg4[%add3A_17, %dma_start3A_18] : memref<102400x384xf32, #tpu.memory_space<hbm>> -> memref<128x384xf32, #tpu.memory_space<hbm>>
      %dma_start3A_20 = arith.constant 0 : i32
      %dma_start3A_21 = tpu.memref_slice %arg4[%add3A_17, %dma_start3A_20] : memref<102400x384xf32, #tpu.memory_space<hbm>> -> memref<128x384xf32, #tpu.memory_space<hbm>>
      tpu.enqueue_dma source(%arg6 : memref<128x384xf32, #tpu.memory_space<vmem>>) target(%dma_start3A_21 : memref<128x384xf32, #tpu.memory_space<hbm>>) target_semaphore(%run_scoped3A : memref<!tpu.dma_semaphore, #tpu.memory_space<semaphore_mem>>)
      %dma_wait3A_22 = arith.constant 0 : i32
      %dma_wait3A_23 = tpu.memref_slice %arg4[%add3A_17, %dma_wait3A_22] : memref<102400x384xf32, #tpu.memory_space<hbm>> -> memref<128x384xf32, #tpu.memory_space<hbm>>
      %dma_wait3A_24 = arith.constant 0 : i32
      %dma_wait3A_25 = tpu.memref_slice %arg4[%add3A_17, %dma_wait3A_24] : memref<102400x384xf32, #tpu.memory_space<hbm>> -> memref<128x384xf32, #tpu.memory_space<hbm>>
      tpu.wait_dma2 semaphore(%run_scoped3A : memref<!tpu.dma_semaphore, #tpu.memory_space<semaphore_mem>>) src(%arg6 : memref<128x384xf32, #tpu.memory_space<vmem>>) dst(%dma_wait3A_25 : memref<128x384xf32, #tpu.memory_space<hbm>>)
      tpu.yield
    }) : () -> ()
    return
  }
}

module attributes {stable_mosaic.version = 14 : i64} {
  func.func @_agg_body(%arg0: i32, %arg1: memref<16x1024xi32, #tpu.memory_space<vmem>>, %arg2: memref<16384x64xf32, #tpu.memory_space<vmem>>, %arg3: memref<16384x64xf32, #tpu.memory_space<vmem>>, %arg4: memref<1024x64xf32, #tpu.memory_space<vmem>>, %arg5: memref<1024x1xi32, #tpu.memory_space<vmem>>, %arg6: memref<1024x1xf32, #tpu.memory_space<vmem>>) attributes {dimension_semantics = [#tpu.dimension_semantics<arbitrary>], iteration_bounds = array<i64: 98>, scalar_prefetch = 0 : i64, scratch_operands = 0 : i64, tpu.core_type = #tpu.core_type<tc>, window_params = [{pipeline_mode = #tpu.pipeline_mode<synchronous>, transform_indices = @transform_0, window_bounds = array<i64: 16, 1024>}, {pipeline_mode = #tpu.pipeline_mode<synchronous>, transform_indices = @transform_1, window_bounds = array<i64: 16384, 64>}, {pipeline_mode = #tpu.pipeline_mode<synchronous>, transform_indices = @transform_2, window_bounds = array<i64: 16384, 64>}, {transform_indices = @transform_3, window_bounds = array<i64: 1024, 64>}, {transform_indices = @transform_4, window_bounds = array<i64: 1024, 1>}, {transform_indices = @transform_5, window_bounds = array<i64: 1024, 1>}]} {
    %mul3A = arith.constant 1024 : i32
    %mul3A_0 = arith.muli %arg0, %mul3A : i32
    %iota3A = tpu.iota {dimensions = array<i32: 0>} : vector<1024x1xi32>
    %add3A = vector.broadcast %mul3A_0 : i32 to vector<1024x1xi32>
    %add3A_1 = arith.addi %add3A, %iota3A : vector<1024x1xi32>
    %broadcast_in_dim3A = arith.constant 0.000000e+00 : f32
    %broadcast_in_dim3A_2 = vector.broadcast %broadcast_in_dim3A : f32 to vector<1024x1xf32>
    %broadcast_in_dim3A_3 = arith.constant -1 : i32
    %broadcast_in_dim3A_4 = vector.broadcast %broadcast_in_dim3A_3 : i32 to vector<1024x1xi32>
    %broadcast_in_dim3A_5 = arith.constant 0.000000e+00 : f32
    %broadcast_in_dim3A_6 = vector.broadcast %broadcast_in_dim3A_5 : f32 to vector<1024x64xf32>
    %scan3A = arith.constant 0 : i32
    %scan3A_7 = arith.constant 16 : i32
    %scan3A_8 = arith.addi %scan3A, %scan3A_7 : i32
    %scan3A_9 = arith.constant 1 : i32
    %scan3A_10:3 = scf.for %scan3A_32 = %scan3A to %scan3A_8 step %scan3A_9 iter_args(%scan3A_33 = %broadcast_in_dim3A_2, %scan3A_34 = %broadcast_in_dim3A_4, %scan3A_35 = %broadcast_in_dim3A_6) -> (vector<1024x1xf32>, vector<1024x1xi32>, vector<1024x64xf32>)  : i32 {
      %get3A = arith.index_cast %scan3A_32 : i32 to index
      %get3A_36 = arith.constant 0 : index
      %get3A_37 = vector.load %arg1[%get3A, %get3A_36] : memref<16x1024xi32, #tpu.memory_space<vmem>>, vector<1x1024xi32>
      %eq3A = vector.broadcast %get3A_37 : vector<1x1024xi32> to vector<1024x1024xi32>
      %eq3A_38 = vector.broadcast %add3A_1 : vector<1024x1xi32> to vector<1024x1024xi32>
      %eq3A_39 = arith.cmpi eq, %eq3A, %eq3A_38 : vector<1024x1024xi32>
      %convert_element_type3A_40 = arith.extui %eq3A_39 : vector<1024x1024xi1> to vector<1024x1024xi32>
      %convert_element_type3A_41 = arith.sitofp %convert_element_type3A_40 : vector<1024x1024xi32> to vector<1024x1024xf32>
      %reduce_sum3A = arith.constant dense<0.000000e+00> : vector<1024xf32>
      %reduce_sum3A_42 = vector.multi_reduction <add>, %convert_element_type3A_41, %reduce_sum3A [1] : vector<1024x1024xf32> to vector<1024xf32>
      %broadcast_in_dim3A_43 = vector.shape_cast %reduce_sum3A_42 : vector<1024xf32> to vector<1024x1xf32>
      %add3A_44 = arith.addf %scan3A_33, %broadcast_in_dim3A_43 : vector<1024x1xf32>
      %mul3A_45 = arith.constant 1024 : i32
      %mul3A_46 = arith.muli %scan3A_32, %mul3A_45 : i32
      %iota3A_47 = tpu.iota {dimensions = array<i32: 1>} : vector<1x1024xi32>
      %add3A_48 = vector.broadcast %mul3A_46 : i32 to vector<1x1024xi32>
      %add3A_49 = arith.addi %add3A_48, %iota3A_47 : vector<1x1024xi32>
      %jit3A_50 = arith.constant -1 : i32
      %broadcast_in_dim3A_51 = vector.shape_cast %add3A_49 : vector<1x1024xi32> to vector<1x1024xi32>
      %broadcast_in_dim3A_52 = vector.broadcast %broadcast_in_dim3A_51 : vector<1x1024xi32> to vector<1024x1024xi32>
      %broadcast_in_dim3A_53 = vector.broadcast %jit3A_50 : i32 to vector<1024x1024xi32>
      %select_n3A_54 = arith.select %eq3A_39, %broadcast_in_dim3A_52, %broadcast_in_dim3A_53 : vector<1024x1024xi1>, vector<1024x1024xi32>
      %reduce_max3A = arith.constant dense<-2147483648> : vector<1024xi32>
      %reduce_max3A_55 = vector.multi_reduction <maxsi>, %select_n3A_54, %reduce_max3A [1] : vector<1024x1024xi32> to vector<1024xi32>
      %broadcast_in_dim3A_56 = vector.shape_cast %reduce_max3A_55 : vector<1024xi32> to vector<1024x1xi32>
      %max3A_57 = arith.maxsi %scan3A_34, %broadcast_in_dim3A_56 : vector<1024x1xi32>
      %mul3A_58 = arith.constant 1024 : i32
      %mul3A_59 = arith.muli %scan3A_32, %mul3A_58 : i32
      %get3A_60 = arith.index_cast %mul3A_59 : i32 to index
      %get3A_61 = arith.constant 0 : index
      %get3A_62 = vector.load %arg2[%get3A_60, %get3A_61] : memref<16384x64xf32, #tpu.memory_space<vmem>>, vector<1024x64xf32>
      %mul3A_63 = arith.constant 1024 : i32
      %mul3A_64 = arith.muli %scan3A_32, %mul3A_63 : i32
      %get3A_65 = arith.index_cast %mul3A_64 : i32 to index
      %get3A_66 = arith.constant 0 : index
      %get3A_67 = vector.load %arg3[%get3A_65, %get3A_66] : memref<16384x64xf32, #tpu.memory_space<vmem>>, vector<1024x64xf32>
      %add3A_68 = arith.addf %get3A_62, %get3A_67 : vector<1024x64xf32>
      %convert_element_type3A_69 = arith.truncf %convert_element_type3A_41 : vector<1024x1024xf32> to vector<1024x1024xbf16>
      %convert_element_type3A_70 = arith.truncf %add3A_68 : vector<1024x64xf32> to vector<1024x64xbf16>
      %dot_general3A = arith.constant dense<0.000000e+00> : vector<1024x64xf32>
      %dot_general3A_71 = tpu.matmul %convert_element_type3A_69, %convert_element_type3A_70, %dot_general3A {dimension_numbers = #tpu.dot_dimension_numbers<[1], [0], [0], [1], [0, 0, 1, 1], [], []>, transpose_lhs_hint = false} : vector<1024x1024xbf16>, vector<1024x64xbf16>, vector<1024x64xf32> -> vector<1024x64xf32>
      %add3A_72 = arith.addf %scan3A_35, %dot_general3A_71 : vector<1024x64xf32>
      scf.yield %add3A_44, %max3A_57, %add3A_72 : vector<1024x1xf32>, vector<1024x1xi32>, vector<1024x64xf32>
    }
    %scan3A_11 = arith.constant 16 : i32
    %gt3A = arith.constant 0.000000e+00 : f32
    %gt3A_12 = vector.broadcast %gt3A : f32 to vector<1024x1xf32>
    %gt3A_13 = arith.cmpf ogt, %scan3A_10#0, %gt3A_12 : vector<1024x1xf32>
    %max3A = arith.constant 1.000000e+00 : f32
    %max3A_14 = vector.broadcast %max3A : f32 to vector<1024x1xf32>
    %max3A_15 = arith.maximumf %scan3A_10#0, %max3A_14 : vector<1024x1xf32>
    %div3A = vector.broadcast %max3A_15 : vector<1024x1xf32> to vector<1024x64xf32>
    %div3A_16 = arith.divf %scan3A_10#2, %div3A : vector<1024x64xf32>
    %jit3A = arith.constant 0.000000e+00 : f32
    %broadcast_in_dim3A_17 = vector.shape_cast %gt3A_13 : vector<1024x1xi1> to vector<1024x1xi1>
    %broadcast_in_dim3A_18 = vector.broadcast %broadcast_in_dim3A_17 : vector<1024x1xi1> to vector<1024x64xi1>
    %broadcast_in_dim3A_19 = vector.broadcast %jit3A : f32 to vector<1024x64xf32>
    %select_n3A = arith.select %broadcast_in_dim3A_18, %div3A_16, %broadcast_in_dim3A_19 : vector<1024x64xi1>, vector<1024x64xf32>
    %swap3A = arith.constant 0 : index
    %swap3A_20 = arith.constant 0 : index
    %swap3A_21 = vector.load %arg4[%swap3A, %swap3A_20] : memref<1024x64xf32, #tpu.memory_space<vmem>>, vector<1024x64xf32>
    tpu.vector_store %arg4[%swap3A, %swap3A_20], %select_n3A {strides = array<i32>} : memref<1024x64xf32, #tpu.memory_space<vmem>>, vector<1024x64xf32>,
    %jit3A_22 = arith.constant 16384 : i32
    %broadcast_in_dim3A_23 = vector.broadcast %jit3A_22 : i32 to vector<1024x1xi32>
    %select_n3A_24 = arith.select %gt3A_13, %scan3A_10#1, %broadcast_in_dim3A_23 : vector<1024x1xi1>, vector<1024x1xi32>
    %swap3A_25 = arith.constant 0 : index
    %swap3A_26 = arith.constant 0 : index
    %swap3A_27 = vector.load %arg5[%swap3A_25, %swap3A_26] : memref<1024x1xi32, #tpu.memory_space<vmem>>, vector<1024x1xi32>
    tpu.vector_store %arg5[%swap3A_25, %swap3A_26], %select_n3A_24 {strides = array<i32>} : memref<1024x1xi32, #tpu.memory_space<vmem>>, vector<1024x1xi32>,
    %convert_element_type3A = arith.extui %gt3A_13 : vector<1024x1xi1> to vector<1024x1xi32>
    %convert_element_type3A_28 = arith.sitofp %convert_element_type3A : vector<1024x1xi32> to vector<1024x1xf32>
    %swap3A_29 = arith.constant 0 : index
    %swap3A_30 = arith.constant 0 : index
    %swap3A_31 = vector.load %arg6[%swap3A_29, %swap3A_30] : memref<1024x1xf32, #tpu.memory_space<vmem>>, vector<1024x1xf32>
    tpu.vector_store %arg6[%swap3A_29, %swap3A_30], %convert_element_type3A_28 {strides = array<i32>} : memref<1024x1xf32, #tpu.memory_space<vmem>>, vector<1024x1xf32>,
    return
  }
  func.func @transform_0(%arg0: i32) -> (i32, i32) {
    %c0_i32 = arith.constant 0 : i32
    %c0_i32_0 = arith.constant 0 : i32
    %c0_i32_1 = arith.constant 0 : i32
    return %c0_i32, %c0_i32_0 : i32, i32
  }
  func.func @transform_1(%arg0: i32) -> (i32, i32) {
    %c0_i32 = arith.constant 0 : i32
    %c0_i32_0 = arith.constant 0 : i32
    %c0_i32_1 = arith.constant 0 : i32
    return %c0_i32, %c0_i32_0 : i32, i32
  }
  func.func @transform_2(%arg0: i32) -> (i32, i32) {
    %c0_i32 = arith.constant 0 : i32
    %c0_i32_0 = arith.constant 0 : i32
    %c0_i32_1 = arith.constant 0 : i32
    return %c0_i32, %c0_i32_0 : i32, i32
  }
  func.func @transform_3(%arg0: i32) -> (i32, i32) {
    %c0_i32 = arith.constant 0 : i32
    %c0_i32_0 = arith.constant 0 : i32
    return %arg0, %c0_i32 : i32, i32
  }
  func.func @transform_4(%arg0: i32) -> (i32, i32) {
    %c0_i32 = arith.constant 0 : i32
    %c0_i32_0 = arith.constant 0 : i32
    return %arg0, %c0_i32 : i32, i32
  }
  func.func @transform_5(%arg0: i32) -> (i32, i32) {
    %c0_i32 = arith.constant 0 : i32
    %c0_i32_0 = arith.constant 0 : i32
    return %arg0, %c0_i32 : i32, i32
  }
}

</mosaic_0001>

<sc_bundles>
// kernel: kernel.4.cloned.1.call-start
scs
__scs_entry_jumppad:
0x0: {  	(pc) =	sbr.rel $0x88, $3  }
0x1: {  	(tag) =	ssettag $0x0;
	lr =	simm.s32 $0x1  }
0x2: {  	[smem:$0x3F9E] =	sst lr;
	_ =	strace $0xD0000000  }
0x3: {  	_ = 	snop  }
0x4: {  	_ = 	snop  }
0x5: {  	_ = 	snop  }
0x6: {  	_ = 	snop  }
0x7: {  	_ = 	snop  }
__scs_overlays_trampoline_lowered:
0x8: {  	[smem:$0x3FAD] =	sst s0  }
0x9: {  	[smem:$0x3FAE] =	sst s1  }
0xa: {  	[smem:$0x3FAF] =	sst s2  }
0xb: {  	[smem:$0x3FB0] =	sst s3  }
0xc: {  	[smem:$0x3FB1] =	sst s4  }
0xd: {  	[smem:$0x3FB2] =	sst s5  }
0xe: {  	[smem:$0x3FB3] =	sst s6  }
0xf: {  	[smem:$0x3FB4] =	sst s7  }
0x10: {  	[smem:$0x3FB5] =	sst s8  }
0x11: {  	[smem:$0x3FB6] =	sst s9;
	s0 =	simm.s32 @!p0 $0x0  }
0x12: {  	s1 =	sld [smem:$0x3F9C];
	s0 =	simm.s32 @p0 $0x1  }
0x13: {  	[smem:$0x3FB7] =	sst s0;
	s0 =	simm.s32 @!p1 $0x0  }
0x14: {  	s2 =	sld [smem:$0x3F9B];
	s0 =	simm.s32 @p1 $0x1  }
0x15: {  	[smem:$0x3FB8] =	sst s0;
	s0 =	simm.s32 @!p2 $0x0  }
0x16: {  	s3 =	sld [smem:$0x3FDB];
	s0 =	simm.s32 @p2 $0x1  }
0x17: {  	s4 =	simm.s32 $0x1BF5;
	[smem:$0x3FBA] =	sst s0  }
0x18: {  	s0 =	sld [smem:$0x3F9D];
	_ =	swait.ge [sflag:s4], $0x0  }
0x19: {  	s7 =	sld [smem:$0x3F9E]  }
0x1a: {  	s8 =	sadd.s32 $0xFFFFE003, lr  }
0x1b: {  	s9 =	sadd.s32 $0xFFFFFEF7, lr;
	s5 =	simm.s32 $0xFFFFFFFF;
	p2 =	slt.u32 s8, $0xFFFFF086  }
0x1c: {  	p1 =	slt.u32 s9, $0xF7A;
	s5 =	simm.s32 @!p2 $0x0  }
0x1d: {  	s5 =	simm.s32 @p1 $0x1;
	p0 =	seq.s32 s7, s2  }
0x1e: {  	s7 =	smul.u32 @!p0 $0xF7A, s2;
	p2 =	seq.s32 @!p0 s5, $0x0  }
0x1f: {  	s9 =	smul.u32 $0xF7A, s1;
	s8 =	simm.s32 @!p0 $0x1BF5;
	p2 =	por !p2, p0  }
0x20: {  	[sflag:s8] =	ssyncset.s32 @!p0 $0xFFFFF086;
	s6 =	sadd.s32 @!p0 s3, s7;
	s7 =	simm.s32 @!p0 $0x108  }
0x21: {  	s3 =	sadd.s32 s3, s9;
	s6 =	sadd.s32 @!p0 $0x88, s6;
	s7 =	simm.s32 @p2 $0x1082  }
0x22: {  	[simem:s7], [sflag:s8] =	dma.local @!p0 [hbm:s6], $0xF7A  }
0x23: {  	s9 =	sor.u32 $0xD0000000, s2;
	s6 =	simm.s32 $0x108;
	_ =	swait.ge @!p0 [sflag:s8], $0x0  }
0x24: {  	s3 =	sadd.s32 $0x88, s3;
	s6 =	simm.s32 @!p1 $0x1082;
	[sflag:s4] =	ssyncset.s32 $0xFFFFF086  }
0x25: {  	[simem:s6], [sflag:s4] =	dma.local [hbm:s3], $0xF7A  }
0x26: {  	[smem:$0x3F9E] =	sst s1;
	(tag) =	ssettag s2;
	_ =	strace s9  }
0x27: {  	s1 =	sld [smem:$0x3FAE]  }
0x28: {  	s2 =	sld [smem:$0x3FAF]  }
0x29: {  	s4 =	sld [smem:$0x3FB1]  }
0x2a: {  	p0 =	seq.s32 s5, $0x0;
	s5 =	sld [smem:$0x3FB2]  }
0x2b: {  	s6 =	sld [smem:$0x3FB3]  }
0x2c: {  	s7 =	sld [smem:$0x3FB4]  }
0x2d: {  	s3 =	simm.s32 $0x108;
	s8 =	sld [smem:$0x3FB5]  }
0x2e: {  	s3 =	simm.s32 @!p0 $0x1082;
	s9 =	sld [smem:$0x3FB6]  }
0x2f: {  	lr =	sadd.s32 s0, s3;
	s0 =	sld [smem:$0x3FAD]  }
0x30: {  	s3 =	sld [smem:$0x3FB0]  }
0x31: {  	[smem:$0x3FB9] =	sst s10  }
0x32: {  	s10 =	sld [smem:$0x3FB7];
	_ =	sdelay $0x3  }
0x33: {  	p0 =	seq.s32 s10, $0x1;
	s10 =	sld [smem:$0x3FB9];
	_ =	sdelay $0x3  }
0x34: {  	[smem:$0x3FB9] =	sst s10  }
0x35: {  	s10 =	sld [smem:$0x3FB8];
	_ =	sdelay $0x3  }
0x36: {  	p1 =	seq.s32 s10, $0x1;
	s10 =	sld [smem:$0x3FB9];
	_ =	sdelay $0x3  }
0x37: {  	[smem:$0x3FB9] =	sst s10  }
0x38: {  	s10 =	sld [smem:$0x3FBA]  }
0x39: {  	_ = 	snop;
	(pc) =	sbr.ind lr, $3  }
0x3a: {  	_ = 	snop  }
0x3b: {  	_ = 	snop  }
0x3c: {  	p2 =	seq.s32 s10, $0x1;
	s10 =	sld [smem:$0x3FB9]  }
0x3d: {  	_ =	shalt  }
0x3e: {  	_ =	shalt  }
0x3f: {  	_ =	shalt  }
0x40: {  	_ =	shalt  }
0x41: {  	_ =	shalt  }
0x42: {  	_ =	shalt  }
0x43: {  	_ =	shalt  }
0x44: {  	_ =	shalt  }
0x45: {  	_ =	shalt  }
0x46: {  	_ =	shalt  }
0x47: {  	_ =	shalt  }
0x48: {  	_ =	shalt  }
0x49: {  	_ =	shalt  }
0x4a: {  	_ =	shalt  }
0x4b: {  	_ =	shalt  }
0x4c: {  	_ =	shalt  }
0x4d: {  	_ =	shalt  }
0x4e: {  	_ =	shalt  }
0x4f: {  	_ =	shalt  }
0x50: {  	_ =	shalt  }
0x51: {  	_ =	shalt  }
0x52: {  	_ =	shalt  }
0x53: {  	_ =	shalt  }
0x54: {  	_ =	shalt  }
0x55: {  	_ =	shalt  }
0x56: {  	_ =	shalt  }
0x57: {  	_ =	shalt  }
0x58: {  	_ =	shalt  }
0x59: {  	_ =	shalt  }
0x5a: {  	_ =	shalt  }
0x5b: {  	_ =	shalt  }
0x5c: {  	_ =	shalt  }
0x5d: {  	_ =	shalt  }
0x5e: {  	_ =	shalt  }
0x5f: {  	_ =	shalt  }
0x60: {  	_ =	shalt  }
0x61: {  	_ =	shalt  }
0x62: {  	_ =	shalt  }
0x63: {  	_ =	shalt  }
0x64: {  	_ =	shalt  }
0x65: {  	_ =	shalt  }
0x66: {  	_ =	shalt  }
0x67: {  	_ =	shalt  }
0x68: {  	_ =	shalt  }
0x69: {  	_ =	shalt  }
0x6a: {  	_ =	shalt  }
0x6b: {  	_ =	shalt  }
0x6c: {  	_ =	shalt  }
0x6d: {  	_ =	shalt  }
0x6e: {  	_ =	shalt  }
0x6f: {  	_ =	shalt  }
0x70: {  	_ =	shalt  }
0x71: {  	_ =	shalt  }
0x72: {  	_ =	shalt  }
0x73: {  	_ =	shalt  }
0x74: {  	_ =	shalt  }
0x75: {  	_ =	shalt  }
0x76: {  	_ =	shalt  }
0x77: {  	_ =	shalt  }
0x78: {  	_ =	shalt  }
0x79: {  	_ =	shalt  }
0x7a: {  	_ =	shalt  }
0x7b: {  	_ =	shalt  }
0x7c: {  	_ =	shalt  }
0x7d: {  	_ =	shalt  }
0x7e: {  	_ =	shalt  }
0x7f: {  	_ =	shalt  }
0x80: {  	_ =	shalt  }
0x81: {  	_ =	shalt  }
0x82: {  	_ =	shalt  }
0x83: {  	_ =	shalt  }
0x84: {  	_ =	shalt  }
0x85: {  	_ =	shalt  }
0x86: {  	_ =	shalt  }
0x87: {  	_ =	shalt  }
.Lfunc_end0:
.L_simem_size_0:
called_computation.1_lowered:
.L_overlay_start_0:
0x88: {  	s2 =	sld [smem:$0x3FD9]  }
0x89: {  	s3 =	sld [smem:$0x3FFE];
	_ =	sdelay $0x1  }
0x8a: {  	s1 =	srdreg.scid  }
0x8b: {  	s0 =	sand.u32 $0x1, s1  }
0x8c: {  	s16 =	sshll.u32 s0, $0xA;
	s2 =	sadd.s32 s3, s2  }
0x8d: {  	s2 =	sadd.s32 s2, s16  }
0x8e: {  	[smem:$0x3FC5] =	sst s2  }
0x8f: {  	_ = 	snop  }
0x90: {  	(tm) =	ssettm $0x1  }
0x91: {  	s17 =	sld [smem:$0x3FFB];
	_ =	sdelay $0x3  }
0x92: {  	_ =	strace s17  }
0x93: {  	s2 =	sld [smem:$0x3FFC];
	_ =	sdelay $0x3  }
0x94: {  	_ =	strace s2  }
0x95: {  	s2 =	sld [smem:$0x3FFD];
	_ =	sdelay $0x3  }
0x96: {  	_ =	strace s2  }
0x97: {  	_ =	strace $0x8FFFFFFF  }
0x98: {  	s18 =	sld [smem:$0x3FDB];
	_ =	sdelay $0x1  }
0x99: {  	s19 =	simm.s32 $_scs_section_size  }
0x9a: {  	s4 =	simm.s32 $_size__tile_overlayer_lowered;
	s5 =	simm.s32 $_tile_overlayer_lowered  }
0x9b: {  	s22 =	simm.s32 $0x1BFF;
	s21 =	sshll.u32 s5, $0x1;
	s2 =	sadd.s32 s19, s18  }
0x9c: {  	s6 =	simm.s32 $0x0;
	s20 =	sshll.u32 s4, $0x1;
	s4 =	sadd.s32 s21, s2  }
0x9d: {  	[timem:s6], [sflag:s22] =	dma.local [hbm:s4], s20  }
0x9e: {  	_ =	swait.ge [sflag:s22], s20  }
0x9f: {  	s3 =	ssub.s32 $0x0, s20;
	[sflag:s22] =	ssyncset.done $0x0  }
0xa0: {  	[sflag:s22] =	ssyncadd.s32 s3;
	_ =	sdelay $0x1  }
0xa1: {  	s23 =	simm.s32 $0x1B8B  }
0xa2: {  	_ =	swait.ge [sflag:s23], $0x1  }
0xa3: {  	[sflag:s23] =	ssyncset.done $0x0  }
0xa4: {  	s25 =	simm.s32 $0x1B8E;
	s24 =	sld [smem:$0x3FFE];
	[sflag:s23] =	ssyncadd.s32 $0xFFFFFFFF  }
0xa5: {  	s26 =	simm.s32 $execute0_lowered;
	[smem:$0x3FD2] =	sst s25  }
0xa6: {  	s4 =	sshll.u32 s26, $0x1;
	_ =	strace $0x80000046;
	[dreg:$0x1] =	wrdreg $0xFFFFFFFF  }
0xa7: {  	s28 =	simm.s32 $_size_execute0_lowered;
	s2 =	sadd.s32 s2, s4;
	[dreg:$0x0] =	wrdreg $0x0  }
0xa8: {  	s4 =	sshll.u32 s28, $0x1;
	[dreg:$0x2] =	wrdreg s2  }
0xa9: {  	[dreg:$0x3] =	wrdreg s4  }
0xaa: {  	[dreg:$0x4] =	wrdreg $0xC0  }
0xab: {  	_ =	task [dreg:s6], $0x5FFFF  }
0xac: {  	[dreg:$0x1] =	wrdreg $0xFFFFFFFF  }
0xad: {  	[dreg:$0x0] =	wrdreg $0x60  }
0xae: {  	[dreg:$0x2] =	wrdreg s24  }
0xaf: {  	[dreg:$0x3] =	wrdreg $0x9  }
0xb0: {  	_ =	task.clear_ibuf [dreg:s6], $0x4FFFF;
	_ =	strace $0x90000046  }
0xb1: {  	s29 =	simm.s32 $0x9;
	_ =	strace $0x80000048  }
0xb2: {  	_ =	swait.ge [sflag:s29], $0x1  }
0xb3: {  	[sflag:s29] =	ssyncadd.s32 $0xFFFFFFFF  }
0xb4: {  	_ =	strace $0x90000048  }
0xb5: {  	_ =	sfence  }
0xb6: {  	s30 =	sld [smem:$0x0];
	_ =	sdelay $0x2  }
0xb7: {  	s31 =	sshll.u32 s1, $0xD;
	s1 =	sshrl.u32 s1, $0x2  }
0xb8: {  	s3 =	sand.u32 $0x4000, s31;
	s1 =	sadd.s32 s1, s30  }
0xb9: {  	s0 =	sor.u32 s3, s0;
	s1 =	sshll.u32 s1, $0x11  }
0xba: {  	s0 =	sor.u32 s1, s0  }
0xbb: {  	s0 =	sadd.s32 $0x8F2B, s0  }
0xbc: {  	[sflag:s0] =	ssyncadd.remote.s32 $0x1  }
0xbd: {  	_ =	sfence.sel $0xFFFF  }
0xbe: {  	[dreg:$0x0] =	wrdreg $0xFFFFFFFF;
	(pc) =	sbr.abs _section_cstart, $3  }
0xbf: {  	[dreg:$0x1] =	wrdreg $0xFFFFFFFF  }
0xc0: {  	_ =	task.clear_ibuf [dreg:s6], $0x2FFFF;
	_ =	strace $0x9FFFFFFF  }
0xc1: {  	(tm) =	ssettm $0x7FFFFFFF  }
tec
execute0_lowered:
.L_overlay_start_1:
0x0: {  	(tag) =	ssettag $0x1  }
0x1: {  	s0 =	srdreg.scid;
	s5 =	stileid.u32  }
0x2: {  	s0 =	sand.u32 $0x1, s0;
	s1 =	smul.u32 $0x1900, s5  }
0x3: {  	s3 =	smul.u32 $0xC80, s0;
	_ =	sdelay $0x1  }
0x4: {  	s2 =	rddreg [dreg:$0x0];
	s1 =	sadd.s32 s3, s1;
	s3 =	simm.s32 $0x0  }
0x5: {  	s13 =	simm.s32 $0xD480;
	[smem:$0x7FF] =	sst s3  }
0x6: {  	s14 =	simm.s32 $0xD880;
	_ =	strace $0x80000047;
	[dreg:$0x4] =	wrdreg s13  }
0x7: {  	s15 =	simm.s32 $0xE080;
	[dreg:$0x5] =	wrdreg s14  }
0x8: {  	s16 =	simm.s32 $0xE480;
	[dreg:$0x6] =	wrdreg s15  }
0x9: {  	s18 =	simm.s32 $0xEC80;
	[dreg:$0x7] =	wrdreg s16  }
0xa: {  	s19 =	simm.s32 $0xF080;
	[dreg:$0x8] =	wrdreg s18  }
0xb: {  	s20 =	simm.s32 $0xF880;
	[dreg:$0x9] =	wrdreg s19  }
0xc: {  	s21 =	simm.s32 $0xFC80;
	s22 =	simm.s32 $0x10480;
	[dreg:$0xa] =	wrdreg s20  }
0xd: {  	s23 =	simm.s32 $0x10880;
	s5 =	sshll.u32 s5, $0x1;
	[dreg:$0xb] =	wrdreg s21  }
0xe: {  	s12 =	sor.u32 s0, s5;
	s0 =	ssub.s32 $0x2, s0;
	[dreg:$0xc] =	wrdreg s22  }
0xf: {  	s24 =	simm.s32 $0x11080;
	s7 =	sshrl.u32 s0, $0x1;
	[dreg:$0xd] =	wrdreg s23  }
0x10: {  	s25 =	simm.s32 $0x11480;
	s0 =	ssub.s32 s0, s7;
	[dreg:$0xe] =	wrdreg s24  }
0x11: {  	s26 =	simm.s32 $0x11C80;
	s0 =	smax.u32 s0, $0x1;
	[dreg:$0xf] =	wrdreg s25  }
0x12: {  	s8 =	simm.s32 $0x3;
	s9 =	simm.s32 $0xC80;
	[smem:$0x7FA] =	sst s0  }
0x13: {  	s10 =	simm.s32 $0x13480;
	s7 =	simm.s32 $0x12C80;
	[dreg:$0x10] =	wrdreg s26  }
0x14: {  	s11 =	simm.s32 $0x13880;
	s28 =	simm.s32 $0x3C80;
	[dreg:$0x13] =	wrdreg s7  }
0x15: {  	s29 =	simm.s32 $0x4480;
	s30 =	simm.s32 $0x4880;
	[dreg:$0x14] =	wrdreg s10  }
0x16: {  	s31 =	simm.s32 $0x5080;
	[dreg:$0x15] =	wrdreg s11;
	s13 =	simm.s32 $0x14480  }
0x17: {  	s6 =	sadd.s32 $0x3D0400, s2;
	s14 =	simm.s32 $0x14C80;
	[dreg:$0x17] =	wrdreg s13  }
0x18: {  	s4 =	sshrl.u32 s1, $0x3;
	s15 =	simm.s32 $0x15080;
	[dreg:$0x18] =	wrdreg s14  }
0x19: {  	s1 =	sadd.s32 $0x80, s1;
	s16 =	simm.s32 $0x15880;
	[dreg:$0x19] =	wrdreg s15  }
0x1a: {  	s4 =	smul.u32 $0x180, s4;
	s18 =	simm.s32 $0x16480;
	[dreg:$0x1a] =	wrdreg s16  }
0x1b: {  	s1 =	sshrl.u32 s1, $0x3;
	s19 =	simm.s32 $0x16880;
	[dreg:$0x1c] =	wrdreg s18  }
0x1c: {  	s20 =	simm.s32 $0x1480;
	s22 =	simm.s32 $0x17080;
	[dreg:$0x1d] =	wrdreg s19  }
0x1d: {  	s21 =	simm.s32 $0x1880;
	s23 =	simm.s32 $0x17480;
	[dreg:$0x1e] =	wrdreg s22  }
0x1e: {  	s24 =	simm.s32 $0x17C80;
	s25 =	simm.s32 $0x18080;
	[dreg:$0x1f] =	wrdreg s23  }
0x1f: {  	s26 =	simm.s32 $0x18880;
	s0 =	simm.s32 $0x0;
	[smem:$0x7FB] =	sst s24  }
0x20: {  	s7 =	simm.s32 $0x6C80;
	s10 =	simm.s32 $0x7480;
	[smem:$0x7FC] =	sst s25  }
0x21: {  	s11 =	simm.s32 $0x7880;
	s1 =	smul.u32 $0x180, s1;
	[smem:$0x7FD] =	sst s26  }
0x22: {  	s15 =	simm.s32 $0xCC80;
	s16 =	simm.s32 $0x1;
	s22 =	simm.s32 $0x2080  }
0x23: {  	s23 =	simm.s32 $0x2480;
	s24 =	simm.s32 $0x2C80;
	s4 =	sadd.s32 s4, s6  }
0x24: {  	s25 =	simm.s32 $0x3080;
	[dreg:$0x2] =	wrdreg s4;
	s4 =	smul.u32 $0xC80, s12  }
0x25: {  	s26 =	simm.s32 $0x3880;
	s13 =	simm.s32 $0x8480;
	s1 =	sadd.s32 s1, s6  }
0x26: {  	s12 =	simm.s32 $0x14080;
	[dreg:$0x3] =	wrdreg s1;
	s4 =	sshrl.u32 s4, $0x3  }
0x27: {  	s14 =	simm.s32 $0x8C80;
	[dreg:$0x16] =	wrdreg s12;
	s17 =	sadd.s32 s4, s2  }
0x28: {  	s12 =	simm.s32 $0x8080;
	s4 =	smul.u32 $0x180, s4;
	s5 =	sadd.s32 $0xC0400, s17  }
0x29: {  	s1 =	simm.s32 $0x5480;
	s17 =	simm.s32 $0x15C80;
	[smem:$0x7F8] =	sst s5  }
0x2a: {  	s4 =	sadd.s32 s6, s4;
	s6 =	simm.s32 $0x12880;
	[dreg:$0x1b] =	wrdreg s17  }
0x2b: {  	v2 =	vlaneseq.u32;
	s5 =	sadd.s32 $0x100, s2;
	s4 =	sadd.s32 $0x24000, s4;
	[dreg:$0x12] =	wrdreg s6  }
0x2c: {  	vm0 =	vmmov $0xffff;
	vm1 =	vmmov $0xff;
	v1 =	vshrl.u32 v2, $0x3;
	s17 =	simm.s32 $0x2;
	[smem:$0x7F9] =	sst s4;
	s4 =	simm.s32 $0x12080  }
0x2d: {  	v0 =	vand.u32 $0x7, v2;
	v2 =	vor.u32 $0x8, v2;
	v1 =	vmul.u32 $0x8, v1;
	s6 =	simm.s32 $0x6880;
	[dreg:$0x11] =	wrdreg s4;
	s4 =	simm.s32 $0x6080  }
.LBB2_1:
0x2e: {  	s18 =	sld [smem:$0x7F8];
	_ =	sdelay $0x1  }
0x2f: {  	[smem:$0x7F7] =	sst s0  }
0x30: {  	[tilespmem:s3], [sflag:$0x3] =	stream.linear.gather [hbm4b:s18+s3], $0xC80, $0x38;
	[tilespmem:$0x18C80] =	vst v63  }
0x31: {  	_ =	swait.ge [sflag:s8], $0xC80  }
0x32: {  	s0 =	simm.s32 $0x5C80;
	[sflag:s8] =	ssyncset.done $0x0  }
0x33: {  	s19 =	simm.s32 $0x0;
	s18 =	simm.s32 $0x80;
	[sflag:s8] =	ssyncadd.s32 $0xFFFFF380  }
.LBB2_2:
0x34: {  	v3 =	vld [tilespmem:s18+$0xFFFFFF80];
	_ =	sdelay $0x4  }
0x35: {  	v4 =	vshrl.u32 v3, $0x3  }
0x36: {  	v4 =	vmul.u32 $0x18, v4  }
0x37: {  	v3 =	vand.u32 $0x7, v3  }
0x38: {  	v3 =	vor.u32 v3, v4  }
0x39: {  	v4 =	vperm.xlane v3, v0;
	_ =	sdelay $0x1  }
0x3a: {  	v4 =	vadd.s32 v1, v4;
	_ =	sdelay $0x1  }
0x3b: {  	v3 =	vperm.xlane v3, v2;
	_ =	sdelay $0x1  }
0x3c: {  	v3 =	vadd.s32 v1, v3  }
0x3d: {  	[tilespmem:s9], [sflag:$0x1] =	stream.indirect_vreg.gather [hbm4b:s2+s3], $0x80, v4, vm0, $0xb8;
	[tilespmem:$0x18C80] =	vst v63  }
0x3e: {  	_ = 	snop  }
0x3f: {  	[tilespmem:s20], [sflag:$0x1] =	stream.indirect_vreg.gather [hbm4b:s5+s3], $0x80, v4, vm1, $0xb8;
	[tilespmem:$0x18C80] =	vst v63  }
0x40: {  	_ = 	snop  }
0x41: {  	[tilespmem:s21], [sflag:$0x1] =	stream.indirect_vreg.gather [hbm4b:s2+s3], $0x80, v3, vm0, $0xb8;
	[tilespmem:$0x18C80] =	vst v63  }
0x42: {  	_ = 	snop  }
0x43: {  	[tilespmem:s22], [sflag:$0x1] =	stream.indirect_vreg.gather [hbm4b:s5+s3], $0x80, v3, vm1, $0xb8;
	[tilespmem:$0x18C80] =	vst v63  }
0x44: {  	v3 =	vld [tilespmem:s18+$0xFFFFFF90];
	_ =	sdelay $0x4  }
0x45: {  	v49 =	vshrl.u32 v3, $0x3  }
0x46: {  	v4 =	vmul.u32 $0x18, v49  }
0x47: {  	v3 =	vand.u32 $0x7, v3  }
0x48: {  	v3 =	vor.u32 v3, v4  }
0x49: {  	v4 =	vperm.xlane v3, v0;
	_ =	sdelay $0x1  }
0x4a: {  	v4 =	vadd.s32 v1, v4;
	_ =	sdelay $0x1  }
0x4b: {  	v3 =	vperm.xlane v3, v2;
	_ =	sdelay $0x1  }
0x4c: {  	v3 =	vadd.s32 v1, v3  }
0x4d: {  	[tilespmem:s23], [sflag:$0x1] =	stream.indirect_vreg.gather [hbm4b:s2+s3], $0x80, v4, vm0, $0xb8;
	[tilespmem:$0x18C80] =	vst v63  }
0x4e: {  	_ = 	snop  }
0x4f: {  	[tilespmem:s24], [sflag:$0x1] =	stream.indirect_vreg.gather [hbm4b:s5+s3], $0x80, v4, vm1, $0xb8;
	[tilespmem:$0x18C80] =	vst v63  }
0x50: {  	_ = 	snop  }
0x51: {  	[tilespmem:s25], [sflag:$0x1] =	stream.indirect_vreg.gather [hbm4b:s2+s3], $0x80, v3, vm0, $0xb8;
	[tilespmem:$0x18C80] =	vst v63  }
0x52: {  	_ = 	snop  }
0x53: {  	[tilespmem:s26], [sflag:$0x1] =	stream.indirect_vreg.gather [hbm4b:s5+s3], $0x80, v3, vm1, $0xb8;
	[tilespmem:$0x18C80] =	vst v63  }
0x54: {  	v3 =	vld [tilespmem:s18+$0xFFFFFFA0];
	_ =	sdelay $0x4  }
0x55: {  	v50 =	vshrl.u32 v3, $0x3  }
0x56: {  	v4 =	vmul.u32 $0x18, v50  }
0x57: {  	v3 =	vand.u32 $0x7, v3  }
0x58: {  	v3 =	vor.u32 v3, v4  }
0x59: {  	v4 =	vperm.xlane v3, v0;
	_ =	sdelay $0x1  }
0x5a: {  	v4 =	vadd.s32 v1, v4;
	_ =	sdelay $0x1  }
0x5b: {  	v3 =	vperm.xlane v3, v2;
	_ =	sdelay $0x1  }
0x5c: {  	v3 =	vadd.s32 v1, v3  }
0x5d: {  	[tilespmem:s28], [sflag:$0x1] =	stream.indirect_vreg.gather [hbm4b:s2+s3], $0x80, v4, vm0, $0xb8;
	[tilespmem:$0x18C80] =	vst v63  }
0x5e: {  	_ = 	snop  }
0x5f: {  	[tilespmem:s29], [sflag:$0x1] =	stream.indirect_vreg.gather [hbm4b:s5+s3], $0x80, v4, vm1, $0xb8;
	[tilespmem:$0x18C80] =	vst v63  }
0x60: {  	_ = 	snop  }
0x61: {  	[tilespmem:s30], [sflag:$0x1] =	stream.indirect_vreg.gather [hbm4b:s2+s3], $0x80, v3, vm0, $0xb8;
	[tilespmem:$0x18C80] =	vst v63  }
0x62: {  	_ = 	snop  }
0x63: {  	[tilespmem:s31], [sflag:$0x1] =	stream.indirect_vreg.gather [hbm4b:s5+s3], $0x80, v3, vm1, $0xb8;
	[tilespmem:$0x18C80] =	vst v63  }
0x64: {  	v3 =	vld [tilespmem:s18+$0xFFFFFFB0];
	_ =	sdelay $0x4  }
0x65: {  	v51 =	vshrl.u32 v3, $0x3  }
0x66: {  	v4 =	vmul.u32 $0x18, v51  }
0x67: {  	v3 =	vand.u32 $0x7, v3  }
0x68: {  	v3 =	vor.u32 v3, v4  }
0x69: {  	v4 =	vperm.xlane v3, v0;
	_ =	sdelay $0x1  }
0x6a: {  	v4 =	vadd.s32 v1, v4;
	_ =	sdelay $0x1  }
0x6b: {  	v3 =	vperm.xlane v3, v2;
	_ =	sdelay $0x1  }
0x6c: {  	v3 =	vadd.s32 v1, v3  }
0x6d: {  	[tilespmem:s1], [sflag:$0x1] =	stream.indirect_vreg.gather [hbm4b:s2+s3], $0x80, v4, vm0, $0xb8;
	[tilespmem:$0x18C80] =	vst v63  }
0x6e: {  	_ = 	snop  }
0x6f: {  	[tilespmem:s0], [sflag:$0x1] =	stream.indirect_vreg.gather [hbm4b:s5+s3], $0x80, v4, vm1, $0xb8;
	[tilespmem:$0x18C80] =	vst v63  }
0x70: {  	_ = 	snop  }
0x71: {  	[tilespmem:s4], [sflag:$0x1] =	stream.indirect_vreg.gather [hbm4b:s2+s3], $0x80, v3, vm0, $0xb8;
	[tilespmem:$0x18C80] =	vst v63  }
0x72: {  	_ = 	snop  }
0x73: {  	[tilespmem:s6], [sflag:$0x1] =	stream.indirect_vreg.gather [hbm4b:s5+s3], $0x80, v3, vm1, $0xb8;
	[tilespmem:$0x18C80] =	vst v63  }
0x74: {  	v3 =	vld [tilespmem:s18+$0xFFFFFFC0];
	_ =	sdelay $0x4  }
0x75: {  	v52 =	vshrl.u32 v3, $0x3  }
0x76: {  	v4 =	vmul.u32 $0x18, v52  }
0x77: {  	v3 =	vand.u32 $0x7, v3  }
0x78: {  	v3 =	vor.u32 v3, v4  }
0x79: {  	v4 =	vperm.xlane v3, v0;
	_ =	sdelay $0x1  }
0x7a: {  	v4 =	vadd.s32 v1, v4;
	_ =	sdelay $0x1  }
0x7b: {  	v3 =	vperm.xlane v3, v2;
	_ =	sdelay $0x1  }
0x7c: {  	v3 =	vadd.s32 v1, v3  }
0x7d: {  	[tilespmem:s7], [sflag:$0x1] =	stream.indirect_vreg.gather [hbm4b:s2+s3], $0x80, v4, vm0, $0xb8;
	[tilespmem:$0x18C80] =	vst v63  }
0x7e: {  	_ = 	snop  }
0x7f: {  	[tilespmem:s10], [sflag:$0x1] =	stream.indirect_vreg.gather [hbm4b:s5+s3], $0x80, v4, vm1, $0xb8;
	[tilespmem:$0x18C80] =	vst v63  }
0x80: {  	_ = 	snop  }
0x81: {  	[tilespmem:s11], [sflag:$0x1] =	stream.indirect_vreg.gather [hbm4b:s2+s3], $0x80, v3, vm0, $0xb8;
	[tilespmem:$0x18C80] =	vst v63  }
0x82: {  	_ = 	snop  }
0x83: {  	[tilespmem:s12], [sflag:$0x1] =	stream.indirect_vreg.gather [hbm4b:s5+s3], $0x80, v3, vm1, $0xb8;
	[tilespmem:$0x18C80] =	vst v63  }
0x84: {  	v3 =	vld [tilespmem:s18+$0xFFFFFFD0];
	_ =	sdelay $0x4  }
0x85: {  	v53 =	vshrl.u32 v3, $0x3  }
0x86: {  	v4 =	vmul.u32 $0x18, v53  }
0x87: {  	v3 =	vand.u32 $0x7, v3  }
0x88: {  	v3 =	vor.u32 v3, v4  }
0x89: {  	v4 =	vperm.xlane v3, v0;
	_ =	sdelay $0x1  }
0x8a: {  	v4 =	vadd.s32 v1, v4;
	_ =	sdelay $0x1  }
0x8b: {  	v3 =	vperm.xlane v3, v2;
	_ =	sdelay $0x1  }
0x8c: {  	v3 =	vadd.s32 v1, v3  }
0x8d: {  	[tilespmem:s13], [sflag:$0x1] =	stream.indirect_vreg.gather [hbm4b:s2+s3], $0x80, v4, vm0, $0xb8;
	[tilespmem:$0x18C80] =	vst v63  }
0x8e: {  	_ = 	snop  }
0x8f: {  	[tilespmem:s14], [sflag:$0x1] =	stream.indirect_vreg.gather [hbm4b:s5+s3], $0x80, v4, vm1, $0xb8;
	[tilespmem:$0x18C80] =	vst v63  }
0x90: {  	s21 =	simm.s32 $0x9080  }
0x91: {  	[tilespmem:s21], [sflag:$0x1] =	stream.indirect_vreg.gather [hbm4b:s2+s3], $0x80, v3, vm0, $0xb8;
	[tilespmem:$0x18C80] =	vst v63  }
0x92: {  	s21 =	simm.s32 $0x9880  }
0x93: {  	[tilespmem:s21], [sflag:$0x1] =	stream.indirect_vreg.gather [hbm4b:s5+s3], $0x80, v3, vm1, $0xb8;
	[tilespmem:$0x18C80] =	vst v63  }
0x94: {  	v3 =	vld [tilespmem:s18+$0xFFFFFFE0];
	_ =	sdelay $0x4  }
0x95: {  	v54 =	vshrl.u32 v3, $0x3  }
0x96: {  	v4 =	vmul.u32 $0x18, v54  }
0x97: {  	v3 =	vand.u32 $0x7, v3  }
0x98: {  	v3 =	vor.u32 v3, v4  }
0x99: {  	v4 =	vperm.xlane v3, v0;
	_ =	sdelay $0x1  }
0x9a: {  	v4 =	vadd.s32 v1, v4;
	_ =	sdelay $0x1  }
0x9b: {  	v3 =	vperm.xlane v3, v2;
	_ =	sdelay $0x1  }
0x9c: {  	s21 =	simm.s32 $0x9C80;
	v3 =	vadd.s32 v1, v3  }
0x9d: {  	[tilespmem:s21], [sflag:$0x1] =	stream.indirect_vreg.gather [hbm4b:s2+s3], $0x80, v4, vm0, $0xb8;
	[tilespmem:$0x18C80] =	vst v63  }
0x9e: {  	s21 =	simm.s32 $0xA480  }
0x9f: {  	[tilespmem:s21], [sflag:$0x1] =	stream.indirect_vreg.gather [hbm4b:s5+s3], $0x80, v4, vm1, $0xb8;
	[tilespmem:$0x18C80] =	vst v63  }
0xa0: {  	s21 =	simm.s32 $0xA880  }
0xa1: {  	[tilespmem:s21], [sflag:$0x1] =	stream.indirect_vreg.gather [hbm4b:s2+s3], $0x80, v3, vm0, $0xb8;
	[tilespmem:$0x18C80] =	vst v63  }
0xa2: {  	s21 =	simm.s32 $0xB080  }
0xa3: {  	[tilespmem:s21], [sflag:$0x1] =	stream.indirect_vreg.gather [hbm4b:s5+s3], $0x80, v3, vm1, $0xb8;
	[tilespmem:$0x18C80] =	vst v63  }
0xa4: {  	v3 =	vld [tilespmem:s18+$0xFFFFFFF0];
	_ =	sdelay $0x4  }
0xa5: {  	v55 =	vshrl.u32 v3, $0x3  }
0xa6: {  	v4 =	vmul.u32 $0x18, v55  }
0xa7: {  	v3 =	vand.u32 $0x7, v3  }
0xa8: {  	v3 =	vor.u32 v3, v4  }
0xa9: {  	v4 =	vperm.xlane v3, v0;
	_ =	sdelay $0x1  }
0xaa: {  	v4 =	vadd.s32 v1, v4;
	_ =	sdelay $0x1  }
0xab: {  	v3 =	vperm.xlane v3, v2;
	_ =	sdelay $0x1  }
0xac: {  	s21 =	simm.s32 $0xB480;
	v3 =	vadd.s32 v1, v3  }
0xad: {  	[tilespmem:s21], [sflag:$0x1] =	stream.indirect_vreg.gather [hbm4b:s2+s3], $0x80, v4, vm0, $0xb8;
	[tilespmem:$0x18C80] =	vst v63  }
0xae: {  	s21 =	simm.s32 $0xBC80  }
0xaf: {  	[tilespmem:s21], [sflag:$0x1] =	stream.indirect_vreg.gather [hbm4b:s5+s3], $0x80, v4, vm1, $0xb8;
	[tilespmem:$0x18C80] =	vst v63  }
0xb0: {  	s21 =	simm.s32 $0xC080  }
0xb1: {  	[tilespmem:s21], [sflag:$0x1] =	stream.indirect_vreg.gather [hbm4b:s2+s3], $0x80, v3, vm0, $0xb8;
	[tilespmem:$0x18C80] =	vst v63  }
0xb2: {  	s21 =	simm.s32 $0xC880  }
0xb3: {  	[tilespmem:s21], [sflag:$0x1] =	stream.indirect_vreg.gather [hbm4b:s5+s3], $0x80, v3, vm1, $0xb8;
	[tilespmem:$0x18C80] =	vst v63  }
0xb4: {  	v3 =	vld [tilespmem:s18+$0x0];
	_ =	sdelay $0x4  }
0xb5: {  	v56 =	vshrl.u32 v3, $0x3  }
0xb6: {  	v4 =	vmul.u32 $0x18, v56  }
0xb7: {  	v3 =	vand.u32 $0x7, v3  }
0xb8: {  	v3 =	vor.u32 v3, v4  }
0xb9: {  	v4 =	vperm.xlane v3, v0;
	_ =	sdelay $0x1  }
0xba: {  	v4 =	vadd.s32 v1, v4;
	_ =	sdelay $0x1  }
0xbb: {  	v3 =	vperm.xlane v3, v2;
	_ =	sdelay $0x1  }
0xbc: {  	v3 =	vadd.s32 v1, v3  }
0xbd: {  	[tilespmem:s15], [sflag:$0x2] =	stream.indirect_vreg.gather [hbm4b:s2+s3], $0x80, v4, vm0, $0xb8;
	[tilespmem:$0x18C80] =	vst v63  }
0xbe: {  	s20 =	rddreg [dreg:$0x4]  }
0xbf: {  	[tilespmem:s20], [sflag:$0x2] =	stream.indirect_vreg.gather [hbm4b:s5+s3], $0x80, v4, vm1, $0xb8;
	[tilespmem:$0x18C80] =	vst v63  }
0xc0: {  	s21 =	rddreg [dreg:$0x5]  }
0xc1: {  	[tilespmem:s21], [sflag:$0x2] =	stream.indirect_vreg.gather [hbm4b:s2+s3], $0x80, v3, vm0, $0xb8;
	[tilespmem:$0x18C80] =	vst v63  }
0xc2: {  	s20 =	rddreg [dreg:$0x6]  }
0xc3: {  	[tilespmem:s20], [sflag:$0x2] =	stream.indirect_vreg.gather [hbm4b:s5+s3], $0x80, v3, vm1, $0xb8;
	[tilespmem:$0x18C80] =	vst v63  }
0xc4: {  	v3 =	vld [tilespmem:s18+$0x10];
	_ =	sdelay $0x4  }
0xc5: {  	v57 =	vshrl.u32 v3, $0x3  }
0xc6: {  	v4 =	vmul.u32 $0x18, v57  }
0xc7: {  	v3 =	vand.u32 $0x7, v3  }
0xc8: {  	v3 =	vor.u32 v3, v4  }
0xc9: {  	v4 =	vperm.xlane v3, v0;
	_ =	sdelay $0x1  }
0xca: {  	v4 =	vadd.s32 v1, v4;
	_ =	sdelay $0x1  }
0xcb: {  	v3 =	vperm.xlane v3, v2;
	_ =	sdelay $0x1  }
0xcc: {  	s20 =	rddreg [dreg:$0x7];
	v3 =	vadd.s32 v1, v3  }
0xcd: {  	[tilespmem:s20], [sflag:$0x2] =	stream.indirect_vreg.gather [hbm4b:s2+s3], $0x80, v4, vm0, $0xb8;
	[tilespmem:$0x18C80] =	vst v63  }
0xce: {  	s21 =	rddreg [dreg:$0x8]  }
0xcf: {  	[tilespmem:s21], [sflag:$0x2] =	stream.indirect_vreg.gather [hbm4b:s5+s3], $0x80, v4, vm1, $0xb8;
	[tilespmem:$0x18C80] =	vst v63  }
0xd0: {  	s20 =	rddreg [dreg:$0x9]  }
0xd1: {  	[tilespmem:s20], [sflag:$0x2] =	stream.indirect_vreg.gather [hbm4b:s2+s3], $0x80, v3, vm0, $0xb8;
	[tilespmem:$0x18C80] =	vst v63  }
0xd2: {  	s21 =	rddreg [dreg:$0xa]  }
0xd3: {  	[tilespmem:s21], [sflag:$0x2] =	stream.indirect_vreg.gather [hbm4b:s5+s3], $0x80, v3, vm1, $0xb8;
	[tilespmem:$0x18C80] =	vst v63  }
0xd4: {  	v3 =	vld [tilespmem:s18+$0x20];
	_ =	sdelay $0x4  }
0xd5: {  	v58 =	vshrl.u32 v3, $0x3  }
0xd6: {  	v4 =	vmul.u32 $0x18, v58  }
0xd7: {  	v3 =	vand.u32 $0x7, v3  }
0xd8: {  	v3 =	vor.u32 v3, v4  }
0xd9: {  	v4 =	vperm.xlane v3, v0;
	_ =	sdelay $0x1  }
0xda: {  	v4 =	vadd.s32 v1, v4;
	_ =	sdelay $0x1  }
0xdb: {  	v3 =	vperm.xlane v3, v2;
	_ =	sdelay $0x1  }
0xdc: {  	s20 =	rddreg [dreg:$0xb];
	v3 =	vadd.s32 v1, v3  }
0xdd: {  	[tilespmem:s20], [sflag:$0x2] =	stream.indirect_vreg.gather [hbm4b:s2+s3], $0x80, v4, vm0, $0xb8;
	[tilespmem:$0x18C80] =	vst v63  }
0xde: {  	s21 =	rddreg [dreg:$0xc]  }
0xdf: {  	[tilespmem:s21], [sflag:$0x2] =	stream.indirect_vreg.gather [hbm4b:s5+s3], $0x80, v4, vm1, $0xb8;
	[tilespmem:$0x18C80] =	vst v63  }
0xe0: {  	s20 =	rddreg [dreg:$0xd]  }
0xe1: {  	[tilespmem:s20], [sflag:$0x2] =	stream.indirect_vreg.gather [hbm4b:s2+s3], $0x80, v3, vm0, $0xb8;
	[tilespmem:$0x18C80] =	vst v63  }
0xe2: {  	s21 =	rddreg [dreg:$0xe]  }
0xe3: {  	[tilespmem:s21], [sflag:$0x2] =	stream.indirect_vreg.gather [hbm4b:s5+s3], $0x80, v3, vm1, $0xb8;
	[tilespmem:$0x18C80] =	vst v63  }
0xe4: {  	v3 =	vld [tilespmem:s18+$0x30];
	_ =	sdelay $0x4  }
0xe5: {  	v59 =	vshrl.u32 v3, $0x3  }
0xe6: {  	v4 =	vmul.u32 $0x18, v59  }
0xe7: {  	v3 =	vand.u32 $0x7, v3  }
0xe8: {  	v3 =	vor.u32 v3, v4  }
0xe9: {  	v4 =	vperm.xlane v3, v0;
	_ =	sdelay $0x1  }
0xea: {  	v4 =	vadd.s32 v1, v4;
	_ =	sdelay $0x1  }
0xeb: {  	v3 =	vperm.xlane v3, v2;
	_ =	sdelay $0x1  }
0xec: {  	s20 =	rddreg [dreg:$0xf];
	v3 =	vadd.s32 v1, v3  }
0xed: {  	[tilespmem:s20], [sflag:$0x2] =	stream.indirect_vreg.gather [hbm4b:s2+s3], $0x80, v4, vm0, $0xb8;
	[tilespmem:$0x18C80] =	vst v63  }
0xee: {  	s21 =	rddreg [dreg:$0x10]  }
0xef: {  	[tilespmem:s21], [sflag:$0x2] =	stream.indirect_vreg.gather [hbm4b:s5+s3], $0x80, v4, vm1, $0xb8;
	[tilespmem:$0x18C80] =	vst v63  }
0xf0: {  	s20 =	rddreg [dreg:$0x11]  }
0xf1: {  	[tilespmem:s20], [sflag:$0x2] =	stream.indirect_vreg.gather [hbm4b:s2+s3], $0x80, v3, vm0, $0xb8;
	[tilespmem:$0x18C80] =	vst v63  }
0xf2: {  	s21 =	rddreg [dreg:$0x12]  }
0xf3: {  	[tilespmem:s21], [sflag:$0x2] =	stream.indirect_vreg.gather [hbm4b:s5+s3], $0x80, v3, vm1, $0xb8;
	[tilespmem:$0x18C80] =	vst v63  }
0xf4: {  	v3 =	vld [tilespmem:s18+$0x40];
	_ =	sdelay $0x4  }
0xf5: {  	v60 =	vshrl.u32 v3, $0x3  }
0xf6: {  	v4 =	vmul.u32 $0x18, v60  }
0xf7: {  	v3 =	vand.u32 $0x7, v3  }
0xf8: {  	v3 =	vor.u32 v3, v4  }
0xf9: {  	v4 =	vperm.xlane v3, v0;
	_ =	sdelay $0x1  }
0xfa: {  	v4 =	vadd.s32 v1, v4;
	_ =	sdelay $0x1  }
0xfb: {  	v3 =	vperm.xlane v3, v2;
	_ =	sdelay $0x1  }
0xfc: {  	s20 =	rddreg [dreg:$0x13];
	v3 =	vadd.s32 v1, v3  }
0xfd: {  	[tilespmem:s20], [sflag:$0x2] =	stream.indirect_vreg.gather [hbm4b:s2+s3], $0x80, v4, vm0, $0xb8;
	[tilespmem:$0x18C80] =	vst v63  }
0xfe: {  	s21 =	rddreg [dreg:$0x14]  }
0xff: {  	[tilespmem:s21], [sflag:$0x2] =	stream.indirect_vreg.gather [hbm4b:s5+s3], $0x80, v4, vm1, $0xb8;
	[tilespmem:$0x18C80] =	vst v63  }
0x100: {  	s20 =	rddreg [dreg:$0x15]  }
0x101: {  	[tilespmem:s20], [sflag:$0x2] =	stream.indirect_vreg.gather [hbm4b:s2+s3], $0x80, v3, vm0, $0xb8;
	[tilespmem:$0x18C80] =	vst v63  }
0x102: {  	s21 =	rddreg [dreg:$0x16]  }
0x103: {  	[tilespmem:s21], [sflag:$0x2] =	stream.indirect_vreg.gather [hbm4b:s5+s3], $0x80, v3, vm1, $0xb8;
	[tilespmem:$0x18C80] =	vst v63  }
0x104: {  	v3 =	vld [tilespmem:s18+$0x50];
	_ =	sdelay $0x4  }
0x105: {  	v61 =	vshrl.u32 v3, $0x3  }
0x106: {  	v4 =	vmul.u32 $0x18, v61  }
0x107: {  	v3 =	vand.u32 $0x7, v3  }
0x108: {  	v3 =	vor.u32 v3, v4  }
0x109: {  	v4 =	vperm.xlane v3, v0;
	_ =	sdelay $0x1  }
0x10a: {  	v4 =	vadd.s32 v1, v4;
	_ =	sdelay $0x1  }
0x10b: {  	v3 =	vperm.xlane v3, v2;
	_ =	sdelay $0x1  }
0x10c: {  	s20 =	rddreg [dreg:$0x17];
	v3 =	vadd.s32 v1, v3  }
0x10d: {  	[tilespmem:s20], [sflag:$0x2] =	stream.indirect_vreg.gather [hbm4b:s2+s3], $0x80, v4, vm0, $0xb8;
	[tilespmem:$0x18C80] =	vst v63  }
0x10e: {  	s21 =	rddreg [dreg:$0x18]  }
0x10f: {  	[tilespmem:s21], [sflag:$0x2] =	stream.indirect_vreg.gather [hbm4b:s5+s3], $0x80, v4, vm1, $0xb8;
	[tilespmem:$0x18C80] =	vst v63  }
0x110: {  	s20 =	rddreg [dreg:$0x19]  }
0x111: {  	[tilespmem:s20], [sflag:$0x2] =	stream.indirect_vreg.gather [hbm4b:s2+s3], $0x80, v3, vm0, $0xb8;
	[tilespmem:$0x18C80] =	vst v63  }
0x112: {  	s21 =	rddreg [dreg:$0x1a]  }
0x113: {  	[tilespmem:s21], [sflag:$0x2] =	stream.indirect_vreg.gather [hbm4b:s5+s3], $0x80, v3, vm1, $0xb8;
	[tilespmem:$0x18C80] =	vst v63  }
0x114: {  	v3 =	vld [tilespmem:s18+$0x60];
	_ =	sdelay $0x4  }
0x115: {  	v62 =	vshrl.u32 v3, $0x3  }
0x116: {  	v4 =	vmul.u32 $0x18, v62  }
0x117: {  	v3 =	vand.u32 $0x7, v3  }
0x118: {  	v3 =	vor.u32 v3, v4  }
0x119: {  	v4 =	vperm.xlane v3, v0;
	_ =	sdelay $0x1  }
0x11a: {  	v4 =	vadd.s32 v1, v4;
	_ =	sdelay $0x1  }
0x11b: {  	v3 =	vperm.xlane v3, v2;
	_ =	sdelay $0x1  }
0x11c: {  	s20 =	rddreg [dreg:$0x1b];
	v3 =	vadd.s32 v1, v3  }
0x11d: {  	[tilespmem:s20], [sflag:$0x2] =	stream.indirect_vreg.gather [hbm4b:s2+s3], $0x80, v4, vm0, $0xb8;
	[tilespmem:$0x18C80] =	vst v63  }
0x11e: {  	s21 =	rddreg [dreg:$0x1c]  }
0x11f: {  	[tilespmem:s21], [sflag:$0x2] =	stream.indirect_vreg.gather [hbm4b:s5+s3], $0x80, v4, vm1, $0xb8;
	[tilespmem:$0x18C80] =	vst v63  }
0x120: {  	s20 =	rddreg [dreg:$0x1d]  }
0x121: {  	[tilespmem:s20], [sflag:$0x2] =	stream.indirect_vreg.gather [hbm4b:s2+s3], $0x80, v3, vm0, $0xb8;
	[tilespmem:$0x18C80] =	vst v63  }
0x122: {  	s21 =	rddreg [dreg:$0x1e]  }
0x123: {  	[tilespmem:s21], [sflag:$0x2] =	stream.indirect_vreg.gather [hbm4b:s5+s3], $0x80, v3, vm1, $0xb8;
	[tilespmem:$0x18C80] =	vst v63  }
0x124: {  	v3 =	vld [tilespmem:s18+$0x70];
	_ =	sdelay $0x4  }
0x125: {  	v63 =	vshrl.u32 v3, $0x3  }
0x126: {  	v4 =	vmul.u32 $0x18, v63  }
0x127: {  	v3 =	vand.u32 $0x7, v3  }
0x128: {  	v3 =	vor.u32 v3, v4  }
0x129: {  	v4 =	vperm.xlane v3, v0;
	_ =	sdelay $0x1  }
0x12a: {  	v4 =	vadd.s32 v1, v4;
	_ =	sdelay $0x1  }
0x12b: {  	v3 =	vperm.xlane v3, v2  }
0x12c: {  	s20 =	rddreg [dreg:$0x1f]  }
0x12d: {  	s21 =	sld [smem:$0x7FB];
	v3 =	vadd.s32 v1, v3  }
0x12e: {  	[tilespmem:s20], [sflag:$0x2] =	stream.indirect_vreg.gather [hbm4b:s2+s3], $0x80, v4, vm0, $0xb8;
	[tilespmem:$0x18C80] =	vst v63  }
0x12f: {  	s20 =	sld [smem:$0x7FC]  }
0x130: {  	[tilespmem:s21], [sflag:$0x2] =	stream.indirect_vreg.gather [hbm4b:s5+s3], $0x80, v4, vm1, $0xb8;
	[tilespmem:$0x18C80] =	vst v63  }
0x131: {  	s21 =	sld [smem:$0x7FD]  }
0x132: {  	[tilespmem:s20], [sflag:$0x2] =	stream.indirect_vreg.gather [hbm4b:s2+s3], $0x80, v3, vm0, $0xb8;
	[tilespmem:$0x18C80] =	vst v63  }
0x133: {  	_ = 	snop  }
0x134: {  	[tilespmem:s21], [sflag:$0x2] =	stream.indirect_vreg.gather [hbm4b:s5+s3], $0x80, v3, vm1, $0xb8;
	[tilespmem:$0x18C80] =	vst v63  }
0x135: {  	_ =	swait.ge [sflag:s16], $0xC000  }
0x136: {  	s20 =	rddreg [dreg:$0x2];
	[sflag:s16] =	ssyncset.done $0x0  }
0x137: {  	[sflag:s16] =	ssyncadd.s32 $0xFFFF4000;
	s20 =	sadd.s32 s19, s20  }
0x138: {  	[hbm4b:s20+s3] =	stream.linear.scatter [tilespmem:s9], [sflag:$0x3], $0xC000, $0x38;
	[tilespmem:$0x18C80] =	vst v63  }
0x139: {  	_ =	swait.ge [sflag:s8], $0xC000  }
0x13a: {  	[sflag:s8] =	ssyncset.done $0x0  }
0x13b: {  	[sflag:s8] =	ssyncadd.s32 $0xFFFF4000  }
0x13c: {  	_ =	swait.ge [sflag:s17], $0xC000  }
0x13d: {  	p0 =	sne.s32 s19, $0x21000;
	s20 =	rddreg [dreg:$0x3];
	[sflag:s17] =	ssyncset.done $0x0  }
.Ltmp0:
0x13e: {  	[sflag:s17] =	ssyncadd.s32 $0xFFFF4000;
	s20 =	sadd.s32 s19, s20;
	(pc) =	sbr.rel @p0 .LBB2_2-.Ltmp0, $4  }
0x13f: {  	[hbm4b:s20+s3] =	stream.linear.scatter [tilespmem:s15], [sflag:$0x3], $0xC000, $0x38;
	[tilespmem:$0x18C80] =	vst v63  }
0x140: {  	_ =	swait.ge [sflag:s8], $0xC000  }
0x141: {  	s18 =	sadd.s32 $0x100, s18;
	s21 =	simm.s32 $0x1880;
	[sflag:s8] =	ssyncset.done $0x0  }
0x142: {  	s19 =	sadd.s32 $0x3000, s19;
	s20 =	simm.s32 $0x1480;
	[sflag:s8] =	ssyncadd.s32 $0xFFFF4000  }
0x143: {  	v3 =	vld [tilespmem:$0xC00];
	_ =	sdelay $0x4  }
0x144: {  	v4 =	vshrl.u32 v3, $0x3  }
0x145: {  	v4 =	vmul.u32 $0x18, v4  }
0x146: {  	v3 =	vand.u32 $0x7, v3  }
0x147: {  	v3 =	vor.u32 v3, v4  }
0x148: {  	v4 =	vperm.xlane v3, v0;
	_ =	sdelay $0x1  }
0x149: {  	v4 =	vadd.s32 v1, v4;
	_ =	sdelay $0x1  }
0x14a: {  	v3 =	vperm.xlane v3, v2;
	_ =	sdelay $0x1  }
0x14b: {  	v3 =	vadd.s32 v1, v3  }
0x14c: {  	[tilespmem:s9], [sflag:$0x1] =	stream.indirect_vreg.gather [hbm4b:s2+s3], $0x80, v4, vm0, $0xb8;
	[tilespmem:$0x18C80] =	vst v63  }
0x14d: {  	_ = 	snop  }
0x14e: {  	[tilespmem:s20], [sflag:$0x1] =	stream.indirect_vreg.gather [hbm4b:s5+s3], $0x80, v4, vm1, $0xb8;
	[tilespmem:$0x18C80] =	vst v63  }
0x14f: {  	_ = 	snop  }
0x150: {  	[tilespmem:s21], [sflag:$0x1] =	stream.indirect_vreg.gather [hbm4b:s2+s3], $0x80, v3, vm0, $0xb8;
	[tilespmem:$0x18C80] =	vst v63  }
0x151: {  	_ = 	snop  }
0x152: {  	[tilespmem:s22], [sflag:$0x1] =	stream.indirect_vreg.gather [hbm4b:s5+s3], $0x80, v3, vm1, $0xb8;
	[tilespmem:$0x18C80] =	vst v63  }
0x153: {  	v3 =	vld [tilespmem:$0xC10];
	_ =	sdelay $0x4  }
0x154: {  	v57 =	vshrl.u32 v3, $0x3  }
0x155: {  	v4 =	vmul.u32 $0x18, v57  }
0x156: {  	v3 =	vand.u32 $0x7, v3  }
0x157: {  	v3 =	vor.u32 v3, v4  }
0x158: {  	v4 =	vperm.xlane v3, v0;
	_ =	sdelay $0x1  }
0x159: {  	v4 =	vadd.s32 v1, v4;
	_ =	sdelay $0x1  }
0x15a: {  	v3 =	vperm.xlane v3, v2;
	_ =	sdelay $0x1  }
0x15b: {  	v3 =	vadd.s32 v1, v3  }
0x15c: {  	[tilespmem:s23], [sflag:$0x1] =	stream.indirect_vreg.gather [hbm4b:s2+s3], $0x80, v4, vm0, $0xb8;
	[tilespmem:$0x18C80] =	vst v63  }
0x15d: {  	_ = 	snop  }
0x15e: {  	[tilespmem:s24], [sflag:$0x1] =	stream.indirect_vreg.gather [hbm4b:s5+s3], $0x80, v4, vm1, $0xb8;
	[tilespmem:$0x18C80] =	vst v63  }
0x15f: {  	_ = 	snop  }
0x160: {  	[tilespmem:s25], [sflag:$0x1] =	stream.indirect_vreg.gather [hbm4b:s2+s3], $0x80, v3, vm0, $0xb8;
	[tilespmem:$0x18C80] =	vst v63  }
0x161: {  	_ = 	snop  }
0x162: {  	[tilespmem:s26], [sflag:$0x1] =	stream.indirect_vreg.gather [hbm4b:s5+s3], $0x80, v3, vm1, $0xb8;
	[tilespmem:$0x18C80] =	vst v63  }
0x163: {  	v3 =	vld [tilespmem:$0xC20];
	_ =	sdelay $0x4  }
0x164: {  	v58 =	vshrl.u32 v3, $0x3  }
0x165: {  	v4 =	vmul.u32 $0x18, v58  }
0x166: {  	v3 =	vand.u32 $0x7, v3  }
0x167: {  	v3 =	vor.u32 v3, v4  }
0x168: {  	v4 =	vperm.xlane v3, v0;
	_ =	sdelay $0x1  }
0x169: {  	v4 =	vadd.s32 v1, v4;
	_ =	sdelay $0x1  }
0x16a: {  	v3 =	vperm.xlane v3, v2;
	_ =	sdelay $0x1  }
0x16b: {  	v3 =	vadd.s32 v1, v3  }
0x16c: {  	[tilespmem:s28], [sflag:$0x1] =	stream.indirect_vreg.gather [hbm4b:s2+s3], $0x80, v4, vm0, $0xb8;
	[tilespmem:$0x18C80] =	vst v63  }
0x16d: {  	_ = 	snop  }
0x16e: {  	[tilespmem:s29], [sflag:$0x1] =	stream.indirect_vreg.gather [hbm4b:s5+s3], $0x80, v4, vm1, $0xb8;
	[tilespmem:$0x18C80] =	vst v63  }
0x16f: {  	_ = 	snop  }
0x170: {  	[tilespmem:s30], [sflag:$0x1] =	stream.indirect_vreg.gather [hbm4b:s2+s3], $0x80, v3, vm0, $0xb8;
	[tilespmem:$0x18C80] =	vst v63  }
0x171: {  	_ = 	snop  }
0x172: {  	[tilespmem:s31], [sflag:$0x1] =	stream.indirect_vreg.gather [hbm4b:s5+s3], $0x80, v3, vm1, $0xb8;
	[tilespmem:$0x18C80] =	vst v63  }
0x173: {  	v3 =	vld [tilespmem:$0xC30];
	_ =	sdelay $0x4  }
0x174: {  	v59 =	vshrl.u32 v3, $0x3  }
0x175: {  	v4 =	vmul.u32 $0x18, v59  }
0x176: {  	v3 =	vand.u32 $0x7, v3  }
0x177: {  	v3 =	vor.u32 v3, v4  }
0x178: {  	v4 =	vperm.xlane v3, v0;
	_ =	sdelay $0x1  }
0x179: {  	v4 =	vadd.s32 v1, v4;
	_ =	sdelay $0x1  }
0x17a: {  	v3 =	vperm.xlane v3, v2;
	_ =	sdelay $0x1  }
0x17b: {  	v3 =	vadd.s32 v1, v3  }
0x17c: {  	[tilespmem:s1], [sflag:$0x1] =	stream.indirect_vreg.gather [hbm4b:s2+s3], $0x80, v4, vm0, $0xb8;
	[tilespmem:$0x18C80] =	vst v63  }
0x17d: {  	_ = 	snop  }
0x17e: {  	[tilespmem:s0], [sflag:$0x1] =	stream.indirect_vreg.gather [hbm4b:s5+s3], $0x80, v4, vm1, $0xb8;
	[tilespmem:$0x18C80] =	vst v63  }
0x17f: {  	_ = 	snop  }
0x180: {  	[tilespmem:s4], [sflag:$0x1] =	stream.indirect_vreg.gather [hbm4b:s2+s3], $0x80, v3, vm0, $0xb8;
	[tilespmem:$0x18C80] =	vst v63  }
0x181: {  	_ = 	snop  }
0x182: {  	[tilespmem:s6], [sflag:$0x1] =	stream.indirect_vreg.gather [hbm4b:s5+s3], $0x80, v3, vm1, $0xb8;
	[tilespmem:$0x18C80] =	vst v63  }
0x183: {  	v3 =	vld [tilespmem:$0xC40];
	_ =	sdelay $0x4  }
0x184: {  	v60 =	vshrl.u32 v3, $0x3  }
0x185: {  	v4 =	vmul.u32 $0x18, v60  }
0x186: {  	v3 =	vand.u32 $0x7, v3  }
0x187: {  	v3 =	vor.u32 v3, v4  }
0x188: {  	v4 =	vperm.xlane v3, v0;
	_ =	sdelay $0x1  }
0x189: {  	v4 =	vadd.s32 v1, v4;
	_ =	sdelay $0x1  }
0x18a: {  	v3 =	vperm.xlane v3, v2;
	_ =	sdelay $0x1  }
0x18b: {  	v3 =	vadd.s32 v1, v3  }
0x18c: {  	[tilespmem:s7], [sflag:$0x1] =	stream.indirect_vreg.gather [hbm4b:s2+s3], $0x80, v4, vm0, $0xb8;
	[tilespmem:$0x18C80] =	vst v63  }
0x18d: {  	_ = 	snop  }
0x18e: {  	[tilespmem:s10], [sflag:$0x1] =	stream.indirect_vreg.gather [hbm4b:s5+s3], $0x80, v4, vm1, $0xb8;
	[tilespmem:$0x18C80] =	vst v63  }
0x18f: {  	_ = 	snop  }
0x190: {  	[tilespmem:s11], [sflag:$0x1] =	stream.indirect_vreg.gather [hbm4b:s2+s3], $0x80, v3, vm0, $0xb8;
	[tilespmem:$0x18C80] =	vst v63  }
0x191: {  	_ = 	snop  }
0x192: {  	[tilespmem:s12], [sflag:$0x1] =	stream.indirect_vreg.gather [hbm4b:s5+s3], $0x80, v3, vm1, $0xb8;
	[tilespmem:$0x18C80] =	vst v63  }
0x193: {  	v3 =	vld [tilespmem:$0xC50];
	_ =	sdelay $0x4  }
0x194: {  	v61 =	vshrl.u32 v3, $0x3  }
0x195: {  	v4 =	vmul.u32 $0x18, v61  }
0x196: {  	v3 =	vand.u32 $0x7, v3  }
0x197: {  	v3 =	vor.u32 v3, v4  }
0x198: {  	v4 =	vperm.xlane v3, v0;
	_ =	sdelay $0x1  }
0x199: {  	v4 =	vadd.s32 v1, v4;
	_ =	sdelay $0x1  }
0x19a: {  	v3 =	vperm.xlane v3, v2;
	_ =	sdelay $0x1  }
0x19b: {  	v3 =	vadd.s32 v1, v3  }
0x19c: {  	[tilespmem:s13], [sflag:$0x1] =	stream.indirect_vreg.gather [hbm4b:s2+s3], $0x80, v4, vm0, $0xb8;
	[tilespmem:$0x18C80] =	vst v63  }
0x19d: {  	_ = 	snop  }
0x19e: {  	[tilespmem:s14], [sflag:$0x1] =	stream.indirect_vreg.gather [hbm4b:s5+s3], $0x80, v4, vm1, $0xb8;
	[tilespmem:$0x18C80] =	vst v63  }
0x19f: {  	s18 =	simm.s32 $0x9080  }
0x1a0: {  	[tilespmem:s18], [sflag:$0x1] =	stream.indirect_vreg.gather [hbm4b:s2+s3], $0x80, v3, vm0, $0xb8;
	[tilespmem:$0x18C80] =	vst v63  }
0x1a1: {  	s19 =	simm.s32 $0x9880  }
0x1a2: {  	[tilespmem:s19], [sflag:$0x1] =	stream.indirect_vreg.gather [hbm4b:s5+s3], $0x80, v3, vm1, $0xb8;
	[tilespmem:$0x18C80] =	vst v63  }
0x1a3: {  	v3 =	vld [tilespmem:$0xC60];
	_ =	sdelay $0x4  }
0x1a4: {  	v62 =	vshrl.u32 v3, $0x3  }
0x1a5: {  	v4 =	vmul.u32 $0x18, v62  }
0x1a6: {  	v3 =	vand.u32 $0x7, v3  }
0x1a7: {  	v3 =	vor.u32 v3, v4  }
0x1a8: {  	v4 =	vperm.xlane v3, v0;
	_ =	sdelay $0x1  }
0x1a9: {  	v4 =	vadd.s32 v1, v4;
	_ =	sdelay $0x1  }
0x1aa: {  	v3 =	vperm.xlane v3, v2;
	_ =	sdelay $0x1  }
0x1ab: {  	s18 =	simm.s32 $0x9C80;
	v3 =	vadd.s32 v1, v3  }
0x1ac: {  	[tilespmem:s18], [sflag:$0x1] =	stream.indirect_vreg.gather [hbm4b:s2+s3], $0x80, v4, vm0, $0xb8;
	[tilespmem:$0x18C80] =	vst v63  }
0x1ad: {  	s19 =	simm.s32 $0xA480  }
0x1ae: {  	[tilespmem:s19], [sflag:$0x1] =	stream.indirect_vreg.gather [hbm4b:s5+s3], $0x80, v4, vm1, $0xb8;
	[tilespmem:$0x18C80] =	vst v63  }
0x1af: {  	s18 =	simm.s32 $0xA880  }
0x1b0: {  	[tilespmem:s18], [sflag:$0x1] =	stream.indirect_vreg.gather [hbm4b:s2+s3], $0x80, v3, vm0, $0xb8;
	[tilespmem:$0x18C80] =	vst v63  }
0x1b1: {  	s19 =	simm.s32 $0xB080  }
0x1b2: {  	[tilespmem:s19], [sflag:$0x1] =	stream.indirect_vreg.gather [hbm4b:s5+s3], $0x80, v3, vm1, $0xb8;
	[tilespmem:$0x18C80] =	vst v63  }
0x1b3: {  	v3 =	vld [tilespmem:$0xC70];
	_ =	sdelay $0x4  }
0x1b4: {  	v63 =	vshrl.u32 v3, $0x3  }
0x1b5: {  	v4 =	vmul.u32 $0x18, v63  }
0x1b6: {  	v3 =	vand.u32 $0x7, v3  }
0x1b7: {  	v3 =	vor.u32 v3, v4  }
0x1b8: {  	v4 =	vperm.xlane v3, v0;
	_ =	sdelay $0x1  }
0x1b9: {  	v4 =	vadd.s32 v1, v4;
	_ =	sdelay $0x1  }
0x1ba: {  	v3 =	vperm.xlane v3, v2;
	_ =	sdelay $0x1  }
0x1bb: {  	s18 =	simm.s32 $0xB480;
	v3 =	vadd.s32 v1, v3  }
0x1bc: {  	[tilespmem:s18], [sflag:$0x1] =	stream.indirect_vreg.gather [hbm4b:s2+s3], $0x80, v4, vm0, $0xb8;
	[tilespmem:$0x18C80] =	vst v63  }
0x1bd: {  	s19 =	simm.s32 $0xBC80  }
0x1be: {  	[tilespmem:s19], [sflag:$0x1] =	stream.indirect_vreg.gather [hbm4b:s5+s3], $0x80, v4, vm1, $0xb8;
	[tilespmem:$0x18C80] =	vst v63  }
0x1bf: {  	s18 =	simm.s32 $0xC080  }
0x1c0: {  	[tilespmem:s18], [sflag:$0x1] =	stream.indirect_vreg.gather [hbm4b:s2+s3], $0x80, v3, vm0, $0xb8;
	[tilespmem:$0x18C80] =	vst v63  }
0x1c1: {  	s19 =	simm.s32 $0xC880  }
0x1c2: {  	[tilespmem:s19], [sflag:$0x1] =	stream.indirect_vreg.gather [hbm4b:s5+s3], $0x80, v3, vm1, $0xb8;
	[tilespmem:$0x18C80] =	vst v63  }
0x1c3: {  	_ =	swait.ge [sflag:s16], $0xC000  }
0x1c4: {  	s18 =	sld [smem:$0x7F9]  }
0x1c5: {  	[sflag:s16] =	ssyncset.done $0x0  }
0x1c6: {  	[sflag:s16] =	ssyncadd.s32 $0xFFFF4000  }
0x1c7: {  	[hbm4b:s18+s3] =	stream.linear.scatter [tilespmem:s9], [sflag:$0x3], $0xC000, $0x38;
	[tilespmem:$0x18C80] =	vst v63  }
0x1c8: {  	_ =	swait.ge [sflag:s8], $0xC000  }
0x1c9: {  	s18 =	sld [smem:$0x7F7]  }
0x1ca: {  	s19 =	sld [smem:$0x7FA];
	_ =	sdelay $0x1  }
0x1cb: {  	s0 =	sadd.s32 $0x1, s18  }
0x1cc: {  	p0 =	sne.s32 s0, s19  }
.Ltmp1:
0x1cd: {  	_ = 	snop;
	(pc) =	sbr.rel @p0 .LBB2_1-.Ltmp1, $3  }
0x1ce: {  	_ =	sdelay $0x1  }
0x1cf: {  	[sflag:s8] =	ssyncset.done $0x0  }
0x1d0: {  	[sflag:s8] =	ssyncadd.s32 $0xFFFF4000  }
0x1d1: {  	_ =	sfence.sel $0x180000  }
0x1d2: {  	[bflag:$0x0] =	sbarrier.arrive $0xFFFF  }
0x1d3: {  	_ =	strace $0x90000047  }
0x1d4: {  	s0 =	stileid.u32;
	[bflag:$0x2] =	sbarrier.arrive $0xFFFF  }
0x1d5: {  	p0 =	sne.s32 s0, $0x0;
	s0 =	rddreg [dreg:$0x1]  }
0x1d6: {  	s0 =	sadd.s32 @!p0 $0x100000, s0  }
0x1d7: {  	[sflag:s0] =	ssyncadd.tile.s32 @!p0 $0x1;
	_ =	shalt  }
.Lfunc_end2:
_tile_overlayer_lowered:
.L_overlay_start_2:
0x1d8: {  	(tag) =	ssettag $0x2  }
0x1d9: {  	s0 =	rddreg [dreg:$0x0];
	s2 =	stileid.u32  }
0x1da: {  	s1 =	rddreg [dreg:$0x1];
	p0 =	sne.s32 s2, $0x0  }
0x1db: {  	s3 =	rddreg [dreg:$0x2];
	[bflag:$0x3] =	sbarrier.arrive $0xFFFF;
	s2 =	simm.s32 @!p0 $0x1C03  }
0x1dc: {  	[timem:s3], [sflag:s2] =	dma.local @!p0 [hbm:s0], s1  }
0x1dd: {  	s0 =	simm.s32 @!p0 $0x3  }
0x1de: {  	_ =	swait.ge @!p0 [sflag:s0], s1  }
0x1df: {  	s1 =	ssub.s32 @!p0 $0x0, s1;
	[sflag:s0] =	ssyncset.done @!p0 $0x0  }
0x1e0: {  	[sflag:s0] =	ssyncadd.s32 @!p0 s1  }
0x1e1: {  	[bflag:$0x3] =	sbarrier.arrive $0xFFFF  }
0x1e2: {  	_ =	shalt  }

// kernel: sparse-core-data-format-call.cloned.1.call-start
scs
called_computation_lowered:
.L_overlay_start_0:
0x0: {  	s2 =	sld [smem:$0x3FD9]  }
0x1: {  	s3 =	sld [smem:$0x3FFE];
	_ =	sdelay $0x1  }
0x2: {  	s1 =	srdreg.scid  }
0x3: {  	s0 =	sand.u32 $0x1, s1  }
0x4: {  	s15 =	sshll.u32 s0, $0xA;
	s2 =	sadd.s32 s3, s2  }
0x5: {  	s2 =	sadd.s32 s2, s15  }
0x6: {  	[smem:$0x3FC5] =	sst s2  }
0x7: {  	_ = 	snop  }
0x8: {  	s2 =	sld [smem:$0x3FD0];
	_ =	sdelay $0x2  }
0x9: {  	s16 =	simm.s32 $0xA;
	s4 =	simm.s32 $0x10  }
0xa: {  	[smem:s4], [sflag:s16] =	dma.local [hbm:s2], $0x1  }
0xb: {  	_ =	swait.eq [sflag:s16], $0x1  }
0xc: {  	[sflag:s16] =	ssyncset.done $0x0  }
0xd: {  	[sflag:s16] =	ssyncadd.s32 $0xFFFFFFFF  }
0xe: {  	s17 =	sld [smem:$0x10];
	(tm) =	ssettm $0x1  }
0xf: {  	s18 =	sld [smem:$0x3FFB];
	_ =	sdelay $0x3  }
0x10: {  	_ =	strace s18  }
0x11: {  	s3 =	sld [smem:$0x3FFC];
	_ =	sdelay $0x3  }
0x12: {  	_ =	strace s3  }
0x13: {  	s3 =	sld [smem:$0x3FFD];
	_ =	sdelay $0x3  }
0x14: {  	_ =	strace s3  }
0x15: {  	_ =	strace $0x8FFFFFFF  }
0x16: {  	s19 =	sld [smem:$0x3FDB];
	_ =	sdelay $0x1  }
0x17: {  	s20 =	simm.s32 $_scs_section_size  }
0x18: {  	s5 =	simm.s32 $_size__tile_overlayer_lowered;
	s6 =	simm.s32 $_tile_overlayer_lowered  }
0x19: {  	s23 =	simm.s32 $0x1BFF;
	s22 =	sshll.u32 s6, $0x1;
	s3 =	sadd.s32 s20, s19  }
0x1a: {  	s7 =	simm.s32 $0x0;
	s21 =	sshll.u32 s5, $0x1;
	s5 =	sadd.s32 s22, s3  }
0x1b: {  	[timem:s7], [sflag:s23] =	dma.local [hbm:s5], s21  }
0x1c: {  	_ =	swait.ge [sflag:s23], s21  }
0x1d: {  	s4 =	ssub.s32 $0x0, s21;
	[sflag:s23] =	ssyncset.done $0x0  }
0x1e: {  	[sflag:s23] =	ssyncadd.s32 s4;
	_ =	sdelay $0x1  }
0x1f: {  	s24 =	simm.s32 $0x1B8B  }
0x20: {  	_ =	swait.ge [sflag:s24], $0x1  }
0x21: {  	[sflag:s24] =	ssyncset.done $0x0  }
0x22: {  	s26 =	simm.s32 $0x1B8E;
	s25 =	sld [smem:$0x3FFE];
	[sflag:s24] =	ssyncadd.s32 $0xFFFFFFFF  }
0x23: {  	s27 =	simm.s32 $execute0_lowered;
	[smem:$0x3FD2] =	sst s26  }
0x24: {  	s5 =	sshll.u32 s27, $0x1;
	_ =	strace $0x80000049;
	[dreg:$0x1] =	wrdreg $0xFFFFFFFF  }
0x25: {  	s28 =	simm.s32 $_size_execute0_lowered;
	s3 =	sadd.s32 s3, s5;
	[dreg:$0x0] =	wrdreg $0x0  }
0x26: {  	s5 =	sshll.u32 s28, $0x1;
	[dreg:$0x2] =	wrdreg s3  }
0x27: {  	[dreg:$0x3] =	wrdreg s5  }
0x28: {  	[dreg:$0x4] =	wrdreg $0xC0  }
0x29: {  	_ =	task [dreg:s7], $0x5FFFF  }
0x2a: {  	[dreg:$0x1] =	wrdreg $0xFFFFFFFF  }
0x2b: {  	[dreg:$0x0] =	wrdreg $0x60  }
0x2c: {  	[dreg:$0x2] =	wrdreg s25  }
0x2d: {  	[dreg:$0x3] =	wrdreg s17  }
0x2e: {  	[dreg:$0x4] =	wrdreg $0x9  }
0x2f: {  	_ =	task.clear_ibuf [dreg:s7], $0x5FFFF;
	_ =	strace $0x90000049  }
0x30: {  	s29 =	simm.s32 $0x9;
	_ =	strace $0x8000004B  }
0x31: {  	_ =	swait.ge [sflag:s29], $0x1  }
0x32: {  	[sflag:s29] =	ssyncadd.s32 $0xFFFFFFFF  }
0x33: {  	_ =	strace $0x9000004B  }
0x34: {  	_ =	sfence  }
0x35: {  	s30 =	sld [smem:$0x0];
	_ =	sdelay $0x2  }
0x36: {  	s31 =	sshll.u32 s1, $0xD;
	s1 =	sshrl.u32 s1, $0x2  }
0x37: {  	s3 =	sand.u32 $0x4000, s31;
	s1 =	sadd.s32 s1, s30  }
0x38: {  	s0 =	sor.u32 s3, s0;
	s1 =	sshll.u32 s1, $0x11  }
0x39: {  	s0 =	sor.u32 s1, s0  }
0x3a: {  	s0 =	sadd.s32 $0x8F2B, s0  }
0x3b: {  	[sflag:s0] =	ssyncadd.remote.s32 $0x1  }
0x3c: {  	_ =	sfence.sel $0xFFFF  }
0x3d: {  	[dreg:$0x0] =	wrdreg $0xFFFFFFFF;
	(pc) =	sbr.abs _section_cstart, $3  }
0x3e: {  	[dreg:$0x1] =	wrdreg $0xFFFFFFFF  }
0x3f: {  	_ =	task.clear_ibuf [dreg:s7], $0x2FFFF;
	_ =	strace $0x9FFFFFFF  }
0x40: {  	(tm) =	ssettm $0x7FFFFFFF  }
0x41: {  	_ =	shalt  }
tec
execute0_lowered:
.L_overlay_start_1:
0x0: {  	(tag) =	ssettag $0x1  }
0x1: {  	s0 =	srdreg.scid  }
0x2: {  	s0 =	sshll.u32 s0, $0x4  }
0x3: {  	s2 =	stileid.u32;
	s0 =	sand.u32 $0x10, s0  }
0x4: {  	s0 =	sor.u32 s2, s0  }
0x5: {  	s12 =	sshll.u32 s0, $0x7  }
0x6: {  	s1 =	rddreg [dreg:$0x0];
	s0 =	ssub.s32 $0x18680, s12  }
0x7: {  	_ =	strace $0x8000004A;
	s29 =	simm.s32 $0x1;
	s0 =	sshrl.u32 s0, $0xC  }
0x8: {  	s30 =	simm.s32 $0x2;
	s14 =	simm.s32 $0x0;
	s0 =	smul.u32 $0x3, s0  }
.Ltmp0:
0x9: {  	s9 =	simm.s32 $0x0;
	s1 =	sadd.s32 $0xA06E00, s1;
	(pc) =	sbr.rel .LBB1_1-.Ltmp0, $4  }
0xa: {  	s8 =	simm.s32 $0x0;
	s11 =	simm.s32 $0x0;
	[dreg:$0x4] =	wrdreg s1  }
0xb: {  	s10 =	simm.s32 $0x0;
	[dreg:$0x3] =	wrdreg s12;
	s31 =	sadd.s32 $0x3, s0  }
0xc: {  	[sflag:s29] =	ssyncpa.u1 $0x0;
	s7 =	sadd.s32 $0x4, s0;
	[dreg:$0x5] =	wrdreg s31  }
0xd: {  	s13 =	simm.s32 $0x0;
	[sflag:s30] =	ssyncpa.u1 $0x0;
	[dreg:$0x6] =	wrdreg s7  }
.LBB1_12:
0xe: {  	s8 =	rddreg [dreg:$0x7]  }
0xf: {  	s1 =	sshll.u32 s11, $0x3;
	s0 =	sshrl.u32 s8, $0x3  }
0x10: {  	s24 =	sand.u32 $0x7F, s11;
	s5 =	rddreg [dreg:$0xb];
	s0 =	smul.u32 $0xC3800, s0  }
0x11: {  	s6 =	rddreg [dreg:$0xa];
	s1 =	sand.u32 $0xFFFFFC00, s1;
	s2 =	sshll.u32 s8, $0x7  }
0x12: {  	s30 =	rddreg [dreg:$0x1];
	s23 =	sand.u32 $0x380, s2;
	s0 =	sadd.s32 s1, s0  }
0x13: {  	s3 =	smov.u32 s11;
	s7 =	rddreg [dreg:$0x6];
	s0 =	sor.u32 s23, s0  }
0x14: {  	p0 =	sgt.s32 s8, $0xC0;
	s1 =	smov.u32 s8;
	s25 =	smulhi.u32 $0xA79C7B17, s0  }
0x15: {  	s31 =	simm.s32 $0xC3800;
	s9 =	rddreg [dreg:$0x8];
	s1 =	simm.s32 @!p0 $0xC0  }
0x16: {  	p0 =	sgt.s32 s11, $0x18680;
	s0 =	sor.u32 s24, s0;
	s2 =	sshrl.u32 s25, $0x10  }
0x17: {  	s1 =	sadd.s32 s5, s1;
	s3 =	simm.s32 @!p0 $0x18680;
	s4 =	smul.u32 $0xCCCD, s2  }
0x18: {  	s26 =	smulhi.u32 $0xA79C7B17, s0;
	s3 =	sadd.s32 s6, s3;
	s27 =	sadd.s32 $0xFFFFFF40, s1  }
0x19: {  	s1 =	ssub.s32 $0x140, s1;
	p0 =	sgt.s32 s27, $0x7F;
	s4 =	sshrl.u32 s4, $0x18  }
0x1a: {  	s28 =	sadd.s32 $0xFFFE7980, s3;
	s5 =	sshrl.u32 s26, $0x10;
	s4 =	smul.u32 $0x140, s4  }
0x1b: {  	s3 =	ssub.s32 $0x18700, s3;
	p1 =	sgt.s32 s28, $0x7F;
	s5 =	smul.u32 $0x18700, s5  }
0x1c: {  	s1 =	simm.s32 @p0 $0x0;
	s3 =	simm.s32 @p1 $0x0;
	s2 =	ssub.s32 s2, s4  }
0x1d: {  	s1 =	smul.u32 s3, s1;
	s0 =	ssub.s32 s0, s5;
	s2 =	sand.u32 $0xFFFF, s2  }
0x1e: {  	s29 =	sshrl.u32 s0, $0x3;
	s0 =	sand.u32 $0x7, s0;
	s2 =	smul.u32 $0x30E0, s2  }
0x1f: {  	s14 =	rddreg [dreg:$0x9];
	s3 =	sadd.s32 s30, s29;
	s0 =	sshll.u32 s0, $0x12  }
0x20: {  	s1 =	sand.u32 $0x3FFFFFFF, s1;
	s0 =	sor.u32 $0x400, s0;
	s2 =	sadd.s32 s2, s3  }
0x21: {  	[hbm4b:s2+s0] =	stream.strided.scatter [tilespmem:s17], [sflag:$0x2], s1, s31, s0, $0x20;
	[tilespmem:$0x10100] =	vst v63  }
.LBB1_13:
0x22: {  	p0 =	slt.u32 s13, $0x2  }
0x23: {  	s1 =	smov.u32 s14;
	s2 =	smov.u32 s9;
	p1 =	sgt.s32 @!p0 s14, $0xC0  }
0x24: {  	s0 =	sshra.s32 @!p0 s14, $0x1F;
	p2 =	sgt.s32 @!p0 s9, $0x18680;
	s3 =	sshra.s32 @!p0 s9, $0x1F  }
0x25: {  	p1 =	por !p1, p0;
	s0 =	sand.u32 @!p0 s0, s14;
	p2 =	por !p2, p0  }
0x26: {  	s3 =	sand.u32 @!p0 s3, s9;
	s1 =	simm.s32 @p1 $0xC0;
	s2 =	simm.s32 @p2 $0x18680  }
0x27: {  	s0 =	ssub.s32 @!p0 s1, s0;
	s1 =	ssub.s32 @!p0 s2, s3  }
0x28: {  	s2 =	sadd.s32 @!p0 $0xFFFFFF40, s0;
	s3 =	sadd.s32 @!p0 $0xFFFE7980, s1  }
0x29: {  	s0 =	ssub.s32 @!p0 $0x140, s0;
	p1 =	sgt.s32 @!p0 s2, $0x7F;
	p2 =	sgt.s32 @!p0 s3, $0x7F  }
0x2a: {  	s1 =	ssub.s32 @!p0 $0x18700, s1;
	p1 =	por !p1, p0;
	p2 =	por !p2, p0  }
0x2b: {  	s0 =	simm.s32 @!p1 $0x0;
	s1 =	simm.s32 @!p2 $0x0  }
0x2c: {  	s0 =	smul.u32 @!p0 s1, s0  }
0x2d: {  	s4 =	smov.u32 s12;
	s2 =	simm.s32 @!p0 $0x2;
	s1 =	sadd.s32 $0x80, s10  }
0x2e: {  	s3 =	sadd.s32 $0x1000, s12;
	p1 =	sgt.s32 s1, $0x13F;
	s0 =	sand.u32 @!p0 $0x3FFFFFFF, s0  }
0x2f: {  	s4 =	smov.u32 @p1 s3;
	_ =	swait.ge @!p0 [sflag:s2], s0  }
0x30: {  	s1 =	simm.s32 @p1 $0x0;
	p1 =	sgt.s32 s4, $0x1869F;
	s3 =	rddreg [dreg:$0x3]  }
0x31: {  	s4 =	smov.u32 @p1 s3;
	p1 =	sne.s32 s13, s7  }
.Ltmp1:
0x32: {  	_ = 	snop;
	(pc) =	sbr.rel @!p1 .LBB1_14-.Ltmp1, $4  }
0x33: {  	s14 =	smov.u32 s8  }
0x34: {  	s9 =	smov.u32 s11;
	s8 =	smov.u32 s10;
	s11 =	smov.u32 s12  }
0x35: {  	s0 =	ssub.s32 @!p0 $0x0, s0;
	s10 =	smov.u32 s1;
	[sflag:s2] =	ssyncset.done @!p0 $0x0  }
0x36: {  	s13 =	sadd.s32 $0x1, s13;
	[sflag:s2] =	ssyncadd.s32 @!p0 s0;
	s12 =	smov.u32 s4  }
.LBB1_1:
0x37: {  	s0 =	rddreg [dreg:$0x5]  }
0x38: {  	s3 =	smov.u32 s12;
	p0 =	sge.u32 s13, s0  }
0x39: {  	s5 =	smov.u32 s10;
	s0 =	sshrl.u32 @!p0 s12, $0x3;
	s1 =	sshll.u32 @!p0 s10, $0x3  }
0x3a: {  	s2 =	sshll.u32 @!p0 s12, $0x7;
	p1 =	sgt.s32 @!p0 s12, $0x18620;
	s0 =	smul.u32 @!p0 $0xC00, s0  }
0x3b: {  	s4 =	sshra.s32 @!p0 s12, $0x1F;
	s1 =	sand.u32 @!p0 $0xFFFFFC00, s1;
	p1 =	por !p1, p0  }
0x3c: {  	s3 =	simm.s32 @p1 $0x18620;
	s0 =	sadd.s32 @!p0 s0, s1;
	s1 =	sand.u32 @!p0 $0x380, s2  }
0x3d: {  	p1 =	sgt.s32 @!p0 s10, $0x100;
	s2 =	sand.u32 @!p0 $0x7F, s10;
	s0 =	sor.u32 @!p0 s1, s0  }
0x3e: {  	s6 =	sshra.s32 @!p0 s10, $0x1F;
	p1 =	por !p1, p0;
	s1 =	sor.u32 @!p0 s2, s0  }
0x3f: {  	s6 =	sand.u32 @!p0 s6, s10;
	s5 =	simm.s32 @p1 $0x100;
	s2 =	smulhi.u32 @!p0 $0xAAAAAAAB, s1  }
0x40: {  	s4 =	sand.u32 @!p0 s4, s12;
	s0 =	smulhi.u32 @!p0 $0xAAAAAAAB, s0;
	s5 =	ssub.s32 @!p0 s5, s6  }
0x41: {  	s3 =	ssub.s32 @!p0 s3, s4;
	s6 =	sadd.s32 @!p0 $0xFFFFFF00, s5;
	s2 =	sshrl.u32 @!p0 s2, $0x8  }
0x42: {  	s0 =	sshrl.u32 @!p0 s0, $0x8;
	p2 =	sgt.s32 @!p0 s6, $0x7F;
	s2 =	smul.u32 @!p0 $0x180, s2  }
0x43: {  	s5 =	ssub.s32 @!p0 $0x180, s5;
	s4 =	smulhi.u32 @!p0 $0x14F8B59, s0;
	p2 =	por !p2, p0  }
0x44: {  	s1 =	ssub.s32 @!p0 s1, s2;
	s2 =	sadd.s32 @!p0 $0xFFFE79E0, s3;
	s3 =	ssub.s32 @!p0 $0x186A0, s3  }
0x45: {  	p1 =	sgt.s32 @!p0 s2, $0x7F;
	s2 =	sshrl.u32 @!p0 s4, $0x9;
	s4 =	sxor.u32 @!p0 $0xFFFFFFFF, s13  }
0x46: {  	s2 =	smul.u32 @!p0 $0x186A0, s2;
	p1 =	por !p1, p0;
	s4 =	sshll.u32 @!p0 s4, $0xE  }
0x47: {  	s5 =	simm.s32 @!p2 $0x0;
	s3 =	simm.s32 @!p1 $0x0;
	s4 =	sand.u32 @!p0 $0x4000, s4  }
0x48: {  	s0 =	ssub.s32 @!p0 s0, s2;
	s2 =	smul.u32 @!p0 s3, s5;
	s3 =	sshrl.u32 @!p0 s1, $0x3  }
0x49: {  	s1 =	sand.u32 @!p0 $0x7, s1;
	s5 =	rddreg [dreg:$0x4];
	s0 =	smul.u32 @!p0 $0x30, s0  }
0x4a: {  	s3 =	sadd.s32 @!p0 s5, s3;
	s1 =	sshll.u32 @!p0 s1, $0x12;
	s2 =	sand.u32 @!p0 $0x3FFFFFFF, s2  }
0x4b: {  	s1 =	sor.u32 @!p0 $0x400, s1;
	s0 =	sadd.s32 @!p0 s0, s3;
	s3 =	simm.s32 @!p0 $0xC00  }
0x4c: {  	[tilespmem:s4], [sflag:$0x1] =	stream.strided.gather @!p0 [hbm4b:s0+s1], s2, s3, s1, $0x38;
	[tilespmem:$0x10100] =	vst v63  }
0x4d: {  	p0 =	seq.s32 s13, $0x0  }
0x4e: {  	p1 =	sge.u32 @!p0 s13, s7  }
0x4f: {  	p0 =	por p0, p1  }
.Ltmp2:
0x50: {  	_ = 	snop;
	(pc) =	sbr.rel @p0 .LBB1_13-.Ltmp2, $1  }
0x51: {  	_ =	sdelay $0x3  }
0x52: {  	s0 =	ssub.s32 $0x0, s11;
	s1 =	sshra.s32 s11, $0x1F;
	p0 =	sgt.s32 s11, $0x18620  }
0x53: {  	s2 =	smov.u32 s11;
	s25 =	ssub.s32 $0x0, s8;
	s26 =	sshra.s32 s8, $0x1F  }
0x54: {  	s3 =	smov.u32 s8;
	s2 =	simm.s32 @!p0 $0x18620;
	p0 =	sgt.s32 s8, $0x100  }
0x55: {  	s4 =	sand.u32 s0, s1;
	s1 =	sand.u32 s25, s26;
	s3 =	simm.s32 @!p0 $0x100  }
0x56: {  	s2 =	sadd.s32 s4, s2;
	[dreg:$0xb] =	wrdreg s1;
	s1 =	sadd.s32 s1, s3  }
0x57: {  	s27 =	sadd.s32 $0xFFFE79E0, s2;
	s2 =	ssub.s32 $0x186A0, s2;
	s28 =	sadd.s32 $0xFFFFFF00, s1  }
0x58: {  	p0 =	sgt.s32 s27, $0x7F;
	s0 =	ssub.s32 $0x180, s1;
	p1 =	sgt.s32 s28, $0x7F  }
0x59: {  	s2 =	simm.s32 @p0 $0x0;
	s0 =	simm.s32 @p1 $0x0  }
0x5a: {  	s29 =	smul.u32 s2, s0;
	s2 =	sadd.s32 $0x80, s11  }
0x5b: {  	p0 =	slt.s32 s2, $0x186A0  }
0x5c: {  	s2 =	simm.s32 @!p0 $0x186A0  }
0x5d: {  	[dreg:$0x9] =	wrdreg s14;
	s19 =	ssub.s32 s2, s11  }
0x5e: {  	[dreg:$0x8] =	wrdreg s9;
	p0 =	slt.s32 s19, $0x1  }
.Ltmp3:
0x5f: {  	[dreg:$0x7] =	wrdreg s8;
	s30 =	simm.s32 $0x1;
	(pc) =	sbr.rel @p0 .LBB1_12-.Ltmp3, $4  }
0x60: {  	[dreg:$0xa] =	wrdreg s4;
	s0 =	sand.u32 $0x1, s13;
	s1 =	sand.u32 $0x3FFFFFFF, s29  }
0x61: {  	s31 =	smul.u32 $0x4080, s0;
	_ =	swait.ge [sflag:s30], s1  }
0x62: {  	s1 =	ssub.s32 $0x0, s1;
	[sflag:s30] =	ssyncset.done $0x0  }
0x63: {  	s17 =	sor.u32 $0x8000, s31;
	[sflag:s30] =	ssyncadd.s32 s1  }
0x64: {  	s2 =	rddreg [dreg:$0x7]  }
0x65: {  	s1 =	sadd.s32 $0x80, s2  }
0x66: {  	p0 =	slt.s32 s1, $0x140  }
.Ltmp4:
0x67: {  	s1 =	simm.s32 @!p0 $0x140;
	(pc) =	sbr.rel .LBB1_4-.Ltmp4, $4  }
0x68: {  	s22 =	sshll.u32 s0, $0xE;
	s1 =	ssub.s32 s1, s2  }
0x69: {  	s24 =	simm.s32 $0x0;
	s25 =	simm.s32 $0x400;
	s1 =	sadd.s32 $0xF, s1  }
0x6a: {  	s20 =	sand.u32 $0xFFFFFFF0, s1;
	s21 =	sand.u32 $0xFFFFFF00, s1;
	s31 =	sshll.u32 s1, $0x3  }
0x6b: {  	p0 =	slt.s32 s1, $0x100;
	s23 =	sand.u32 $0xFFFFF800, s31;
	p1 =	sge.s32 s21, s20  }
.LBB1_11:
0x6c: {  	s24 =	sadd.s32 $0x1, s24  }
0x6d: {  	p2 =	sne.s32 s24, s19  }
.Ltmp5:
0x6e: {  	_ = 	snop;
	(pc) =	sbr.rel @!p2 .LBB1_12-.Ltmp5, $2  }
0x6f: {  	_ =	sdelay $0x2  }
0x70: {  	s25 =	sadd.s32 $0x80, s25  }
.LBB1_4:
.Ltmp6:
0x71: {  	(pc) =	sbr.rel @p0 .LBB1_8-.Ltmp6, $2  }
0x72: {  	_ =	sdelay $0x2  }
0x73: {  	s26 =	sshll.u32 s24, $0x7;
	s27 =	sand.u32 $0x7F, s24  }
0x74: {  	s0 =	sshll.u32 s24, $0x3  }
0x75: {  	s5 =	sand.u32 $0x380, s26;
	s3 =	sshrl.u32 s0, $0x7;
	s2 =	sadd.s32 $0x800, s0  }
0x76: {  	s6 =	sadd.s32 $0x1000, s0;
	s18 =	sadd.s32 s5, s22;
	s16 =	sadd.s32 $0x1800, s0  }
0x77: {  	s9 =	sadd.s32 $0x2800, s0;
	s1 =	sand.u32 $0x78, s3;
	s2 =	sshrl.u32 s2, $0x7  }
0x78: {  	s15 =	sshrl.u32 s6, $0x7;
	s6 =	sshrl.u32 s16, $0x7;
	s14 =	sshrl.u32 s9, $0x7  }
0x79: {  	s16 =	sadd.s32 $0x3000, s0;
	s4 =	smul.u32 $0x204, s1;
	s2 =	sand.u32 $0x78, s2  }
0x7a: {  	s0 =	sadd.s32 $0x3800, s0;
	s5 =	sand.u32 $0x78, s15;
	s2 =	smul.u32 $0x204, s2  }
0x7b: {  	v0 =	vmov s18;
	s18 =	sand.u32 $0x3C00, s25;
	s1 =	sxor.u32 $0x40, s1;
	s5 =	smul.u32 $0x204, s5  }
0x7c: {  	s7 =	sand.u32 $0x78, s6;
	s1 =	smul.u32 $0x204, s1;
	s4 =	sshrl.u32 s4, $0x2  }
0x7d: {  	s4 =	sadd.s32 s4, s17;
	s2 =	sshrl.u32 s2, $0x2;
	s8 =	sshrl.u32 s5, $0x2  }
0x7e: {  	s1 =	sshrl.u32 s1, $0x2;
	s2 =	sadd.s32 s2, s17;
	s28 =	sadd.s32 s27, s4  }
0x7f: {  	s4 =	sadd.s32 s8, s17;
	s15 =	sadd.s32 s1, s17;
	s8 =	sshrl.u32 s0, $0x7  }
0x80: {  	s29 =	sadd.s32 s27, s2;
	s2 =	smul.u32 $0x204, s7;
	s30 =	sadd.s32 s27, s4  }
0x81: {  	s4 =	sand.u32 $0x78, s14;
	s31 =	sadd.s32 s27, s15;
	s7 =	sshrl.u32 s16, $0x7  }
0x82: {  	s9 =	sand.u32 $0x78, s8;
	s14 =	sadd.s32 $0x10, s3;
	s15 =	sadd.s32 $0x20, s3  }
0x83: {  	s4 =	smul.u32 $0x204, s4;
	s5 =	sand.u32 $0x78, s14;
	s6 =	sand.u32 $0x78, s15  }
0x84: {  	s14 =	sadd.s32 $0x60, s3;
	s2 =	sshrl.u32 s2, $0x2;
	s5 =	smul.u32 $0x204, s5  }
0x85: {  	s6 =	smul.u32 $0x204, s6;
	s14 =	sand.u32 $0x78, s14;
	s2 =	sadd.s32 s2, s17  }
0x86: {  	s4 =	sshrl.u32 s4, $0x2;
	s14 =	smul.u32 $0x204, s14;
	s1 =	sadd.s32 s27, s2  }
0x87: {  	s2 =	sand.u32 $0x78, s7;
	s4 =	sadd.s32 s4, s17;
	s5 =	sshrl.u32 s5, $0x2  }
0x88: {  	s7 =	sadd.s32 $0x30, s3;
	s0 =	sadd.s32 s27, s4;
	s4 =	smul.u32 $0x204, s9  }
0x89: {  	s16 =	sadd.s32 s5, s17;
	s5 =	sand.u32 $0x78, s7;
	s7 =	sadd.s32 $0x50, s3  }
0x8a: {  	s6 =	sshrl.u32 s6, $0x2;
	s3 =	sadd.s32 $0x70, s3;
	s7 =	sand.u32 $0x78, s7  }
0x8b: {  	v1 =	vld.idx.msk [tilespmem:v0+s18+$0x0 ss:$0x1], $0xffff;
	s3 =	sand.u32 $0x78, s3;
	s4 =	sshrl.u32 s4, $0x2;
	s7 =	smul.u32 $0x204, s7  }
0x8c: {  	s14 =	sshrl.u32 s14, $0x2;
	s3 =	smul.u32 $0x204, s3;
	s4 =	sadd.s32 s4, s17  }
0x8d: {  	s15 =	sadd.s32 s6, s17;
	s14 =	sadd.s32 s14, s17;
	s8 =	sadd.s32 s27, s4  }
0x8e: {  	s4 =	sadd.s32 s27, s15;
	s7 =	sshrl.u32 s7, $0x2;
	s3 =	sshrl.u32 s3, $0x2  }
0x8f: {  	s15 =	sadd.s32 $0xFFFFFC00, s25;
	s7 =	sadd.s32 s7, s17;
	s9 =	sadd.s32 s3, s17  }
0x90: {  	[tilespmem:s28+$0x0 ss:$0x81] =	vst.msk $0xffff, v1;
	v1 =	vld.idx.msk [tilespmem:v0+s18+$0x20 ss:$0x1], $0xffff;
	s3 =	sadd.s32 s27, s7;
	s7 =	sadd.s32 s27, s14;
	s14 =	sand.u32 $0x3C00, s15  }
0x91: {  	v2 =	vld.idx.msk [tilespmem:v0+s14+$0x70 ss:$0x1], $0xffff  }
0x92: {  	v3 =	vld.idx.msk [tilespmem:v0+s14+$0x0 ss:$0x1], $0xffff  }
0x93: {  	v4 =	vld.idx.msk [tilespmem:v0+s14+$0x10 ss:$0x1], $0xffff  }
0x94: {  	v5 =	vld.idx.msk [tilespmem:v0+s14+$0x20 ss:$0x1], $0xffff  }
0x95: {  	v6 =	vld.idx.msk [tilespmem:v0+s14+$0x30 ss:$0x1], $0xffff  }
0x96: {  	v7 =	vld.idx.msk [tilespmem:v0+s14+$0x40 ss:$0x1], $0xffff;
	[tilespmem:s8+$0x0 ss:$0x81] =	vst.msk $0xffff, v2  }
0x97: {  	s2 =	smul.u32 $0x204, s2;
	v8 =	vld.idx.msk [tilespmem:v0+s14+$0x50 ss:$0x1], $0xffff;
	[tilespmem:s28+$0x0 ss:$0x81] =	vst.msk $0xffff, v3  }
0x98: {  	p2 =	sgt.s32 s21, $0x100;
	s5 =	smul.u32 $0x204, s5;
	v9 =	vld.idx.msk [tilespmem:v0+s14+$0x60 ss:$0x1], $0xffff;
	[tilespmem:s29+$0x0 ss:$0x81] =	vst.msk $0xffff, v4  }
.Ltmp7:
0x99: {  	v4 =	vld.idx.msk [tilespmem:v0+s18+$0x10 ss:$0x1], $0xffff;
	[tilespmem:s30+$0x0 ss:$0x81] =	vst.msk $0xffff, v5;
	(pc) =	sbr.rel @!p2 .LBB1_7-.Ltmp7, $4  }
0x9a: {  	s2 =	sshrl.u32 s2, $0x2;
	s5 =	sshrl.u32 s5, $0x2;
	[tilespmem:s1+$0x0 ss:$0x81] =	vst.msk $0xffff, v6;
	v2 =	vld.idx.msk [tilespmem:v0+s18+$0x30 ss:$0x1], $0xffff  }
0x9b: {  	s2 =	sadd.s32 s2, s17;
	s5 =	sadd.s32 s5, s17;
	[tilespmem:s31+$0x0 ss:$0x81] =	vst.msk $0xffff, v7;
	v3 =	vld.idx.msk [tilespmem:v0+s18+$0x40 ss:$0x1], $0xffff  }
0x9c: {  	s6 =	sadd.s32 s27, s16;
	s2 =	sadd.s32 s27, s2;
	s5 =	sadd.s32 s27, s5;
	[tilespmem:s0+$0x0 ss:$0x81] =	vst.msk $0xffff, v8;
	v5 =	vld.idx.msk [tilespmem:v0+s18+$0x50 ss:$0x1], $0xffff  }
0x9d: {  	s16 =	sadd.s32 s27, s9;
	s15 =	sadd.s32 $0x800, s25;
	s14 =	simm.s32 $0x100;
	[tilespmem:s2+$0x0 ss:$0x81] =	vst.msk $0xffff, v9;
	v6 =	vld.idx.msk [tilespmem:v0+s18+$0x60 ss:$0x1], $0xffff  }
.LBB1_6:
0x9e: {  	s9 =	sadd.s32 $0xFFFFFC00, s15;
	s14 =	sadd.s32 $0x100, s14;
	[tilespmem:s6+$0x0 ss:$0x81] =	vst.msk $0xffff, v4;
	v4 =	vld.idx.msk [tilespmem:v0+s18+$0x70 ss:$0x1], $0xffff;
	s18 =	sand.u32 $0x3C00, s15  }
0x9f: {  	s9 =	sand.u32 $0x3C00, s9;
	v7 =	vld.idx.msk [tilespmem:v0+s18+$0x0 ss:$0x1], $0xffff;
	p2 =	slt.s32 s14, s21;
	[tilespmem:s4+$0x0 ss:$0x81] =	vst.msk $0xffff, v1  }
0xa0: {  	v1 =	vld.idx.msk [tilespmem:v0+s9+$0x70 ss:$0x1], $0xffff;
	[tilespmem:s5+$0x0 ss:$0x81] =	vst.msk $0xffff, v2  }
0xa1: {  	v2 =	vld.idx.msk [tilespmem:v0+s9+$0x0 ss:$0x1], $0xffff;
	[tilespmem:s31+$0x0 ss:$0x81] =	vst.msk $0xffff, v3  }
0xa2: {  	v3 =	vld.idx.msk [tilespmem:v0+s9+$0x10 ss:$0x1], $0xffff;
	[tilespmem:s3+$0x0 ss:$0x81] =	vst.msk $0xffff, v5  }
0xa3: {  	v5 =	vld.idx.msk [tilespmem:v0+s9+$0x20 ss:$0x1], $0xffff;
	[tilespmem:s7+$0x0 ss:$0x81] =	vst.msk $0xffff, v6  }
0xa4: {  	v6 =	vld.idx.msk [tilespmem:v0+s9+$0x30 ss:$0x1], $0xffff;
	[tilespmem:s16+$0x0 ss:$0x81] =	vst.msk $0xffff, v4  }
0xa5: {  	v8 =	vld.idx.msk [tilespmem:v0+s9+$0x40 ss:$0x1], $0xffff;
	[tilespmem:s28+$0x0 ss:$0x81] =	vst.msk $0xffff, v7  }
0xa6: {  	v7 =	vld.idx.msk [tilespmem:v0+s9+$0x50 ss:$0x1], $0xffff;
	[tilespmem:s8+$0x0 ss:$0x81] =	vst.msk $0xffff, v1  }
0xa7: {  	[tilespmem:s28+$0x0 ss:$0x81] =	vst.msk $0xffff, v2;
	v9 =	vld.idx.msk [tilespmem:v0+s9+$0x60 ss:$0x1], $0xffff  }
0xa8: {  	[tilespmem:s29+$0x0 ss:$0x81] =	vst.msk $0xffff, v3;
	v4 =	vld.idx.msk [tilespmem:v0+s18+$0x10 ss:$0x1], $0xffff  }
.Ltmp8:
0xa9: {  	[tilespmem:s30+$0x0 ss:$0x81] =	vst.msk $0xffff, v5;
	v1 =	vld.idx.msk [tilespmem:v0+s18+$0x20 ss:$0x1], $0xffff;
	(pc) =	sbr.rel @p2 .LBB1_6-.Ltmp8, $4  }
0xaa: {  	[tilespmem:s1+$0x0 ss:$0x81] =	vst.msk $0xffff, v6;
	v2 =	vld.idx.msk [tilespmem:v0+s18+$0x30 ss:$0x1], $0xffff  }
0xab: {  	[tilespmem:s31+$0x0 ss:$0x81] =	vst.msk $0xffff, v8;
	v3 =	vld.idx.msk [tilespmem:v0+s18+$0x40 ss:$0x1], $0xffff  }
0xac: {  	[tilespmem:s0+$0x0 ss:$0x81] =	vst.msk $0xffff, v7;
	v5 =	vld.idx.msk [tilespmem:v0+s18+$0x50 ss:$0x1], $0xffff  }
0xad: {  	s15 =	sadd.s32 $0x800, s15;
	[tilespmem:s2+$0x0 ss:$0x81] =	vst.msk $0xffff, v9;
	v6 =	vld.idx.msk [tilespmem:v0+s18+$0x60 ss:$0x1], $0xffff  }
.LBB1_7:
0xae: {  	_ =	sdelay $0x2  }
0xaf: {  	[tilespmem:s6+$0x0 ss:$0x81] =	vst.msk $0xffff, v4  }
0xb0: {  	v0 =	vld.idx.msk [tilespmem:v0+s18+$0x70 ss:$0x1], $0xffff;
	[tilespmem:s4+$0x0 ss:$0x81] =	vst.msk $0xffff, v1  }
0xb1: {  	[tilespmem:s5+$0x0 ss:$0x81] =	vst.msk $0xffff, v2  }
0xb2: {  	[tilespmem:s31+$0x0 ss:$0x81] =	vst.msk $0xffff, v3  }
0xb3: {  	[tilespmem:s3+$0x0 ss:$0x81] =	vst.msk $0xffff, v5  }
0xb4: {  	[tilespmem:s7+$0x0 ss:$0x81] =	vst.msk $0xffff, v6  }
0xb5: {  	[tilespmem:s16+$0x0 ss:$0x81] =	vst.msk $0xffff, v0  }
.LBB1_8:
.Ltmp9:
0xb6: {  	(pc) =	sbr.rel @p1 .LBB1_11-.Ltmp9, $1  }
0xb7: {  	_ =	sdelay $0x3  }
0xb8: {  	s1 =	sand.u32 $0x380, s26;
	s0 =	sshrl.u32 s24, $0x4;
	s2 =	sadd.s32 s27, s17  }
0xb9: {  	s3 =	smov.u32 s23;
	s4 =	smov.u32 s21;
	s1 =	sadd.s32 s1, s22  }
.LBB1_10:
0xba: {  	s5 =	sand.u32 $0x3C00, s3  }
0xbb: {  	s5 =	sadd.s32 s26, s5  }
0xbc: {  	s5 =	sand.u32 $0x3C00, s5  }
0xbd: {  	s6 =	sand.u32 $0x70, s4;
	s30 =	sadd.s32 s4, s0;
	s5 =	sadd.s32 s5, s1  }
0xbe: {  	s4 =	sadd.s32 $0x10, s4;
	s31 =	sand.u32 $0x78, s30;
	s5 =	sadd.s32 s6, s5  }
0xbf: {  	p2 =	slt.s32 s4, s20;
	v0 =	vld [tilespmem:s5+$0x0];
	s5 =	smul.u32 $0x204, s31  }
.Ltmp10:
0xc0: {  	_ = 	snop;
	(pc) =	sbr.rel @p2 .LBB1_10-.Ltmp10, $4  }
0xc1: {  	_ = 	snop  }
0xc2: {  	s5 =	sshrl.u32 s5, $0x2  }
0xc3: {  	s5 =	sadd.s32 s5, s2  }
0xc4: {  	s3 =	sadd.s32 $0x80, s3;
	[tilespmem:s5+$0x0 ss:$0x81] =	vst.msk $0xffff, v0  }
.Ltmp11:
0xc5: {  	_ = 	snop;
	(pc) =	sbr.rel .LBB1_11-.Ltmp11, $1  }
0xc6: {  	_ =	sdelay $0x3  }
.LBB1_14:
0xc7: {  	_ =	sfence.sel $0x180000  }
0xc8: {  	s0 =	simm.s32 $0x1;
	[bflag:$0x0] =	sbarrier.arrive $0xFFFF  }
0xc9: {  	s30 =	simm.s32 $0x2;
	[sflag:s0] =	ssyncpa.u1 $0x1  }
0xca: {  	[sflag:s30] =	ssyncpa.u1 $0x1  }
0xcb: {  	_ =	strace $0x9000004A  }
0xcc: {  	s31 =	stileid.u32;
	[bflag:$0x2] =	sbarrier.arrive $0xFFFF  }
0xcd: {  	p0 =	sne.s32 s31, $0x0;
	s0 =	rddreg [dreg:$0x2]  }
0xce: {  	s0 =	sadd.s32 @!p0 $0x100000, s0  }
0xcf: {  	[sflag:s0] =	ssyncadd.tile.s32 @!p0 $0x1;
	_ =	shalt  }
.Lfunc_end1:
_tile_overlayer_lowered:
.L_overlay_start_2:
0xd0: {  	(tag) =	ssettag $0x2  }
0xd1: {  	s0 =	rddreg [dreg:$0x0];
	s2 =	stileid.u32  }
0xd2: {  	s1 =	rddreg [dreg:$0x1];
	p0 =	sne.s32 s2, $0x0  }
0xd3: {  	s3 =	rddreg [dreg:$0x2];
	[bflag:$0x3] =	sbarrier.arrive $0xFFFF;
	s2 =	simm.s32 @!p0 $0x1C01  }
0xd4: {  	[timem:s3], [sflag:s2] =	dma.local @!p0 [hbm:s0], s1  }
0xd5: {  	s0 =	simm.s32 @!p0 $0x1  }
0xd6: {  	_ =	swait.ge @!p0 [sflag:s0], s1  }
0xd7: {  	s1 =	ssub.s32 @!p0 $0x0, s1;
	[sflag:s0] =	ssyncset.done @!p0 $0x0  }
0xd8: {  	[sflag:s0] =	ssyncadd.s32 @!p0 s1  }
0xd9: {  	[bflag:$0x3] =	sbarrier.arrive $0xFFFF  }
0xda: {  	_ =	shalt  }

</sc_bundles>
